<compile_context>
chip_gen: v7x
topology: tpu7x:2x2x1
jax: 0.10.2.dev20260603
libtpu: 0.0.44.dev20260713+nightly
codegen_flags: <defaults>
</compile_context>

<pallas_src>
import functools

import jax
import jax.numpy as jnp
from jax import lax
from jax.experimental import pallas as pl
from jax.experimental.pallas import tpu as pltpu
from jax.experimental.pallas import tpu_sc as plsc

_NC, _NS, _L = 2, 16, 16
_NW = _NC * _NS

_N, _F, _H, _G = 10000, 128, 64, 64
_RH = max(_H // 2, 16)
_EPS = 1e-5
_NPAD = 10240
_CHUNK = 128
_DEGW = 8
_STRIPE = _NPAD // _NS
_PR = _NPAD // _NW
_TS = (_G + 1) * _H
_BR = 1024
_HW = 128


def _mesh():
    return plsc.VectorSubcoreMesh(core_axis_name="c", subcore_axis_name="s")


def _make_deg(kc):
    @functools.partial(
        pl.kernel,
        out_type=jax.ShapeDtypeStruct((_NC, _NPAD, _DEGW), jnp.float32),
        mesh=_mesh(),
        compiler_params=pltpu.CompilerParams(use_tc_tiling_on_sc=False, needs_layout_passes=False),
        scratch_types=[
            pltpu.VMEM((kc, _CHUNK), jnp.int32),
            pltpu.VMEM((_CHUNK, _DEGW), jnp.float32),
            pltpu.VMEM_SHARED((_NPAD, _DEGW), jnp.float32),
        ],
    )
    def deg_kernel(ei_hbm, zeros_hbm, ones_hbm, out_hbm, dst_v, ones_v, deg_sh):
        cid = lax.axis_index("c")
        sid = lax.axis_index("s")
        wid = cid * _NS + sid
        pltpu.sync_copy(zeros_hbm.at[pl.ds(sid * _STRIPE, _STRIPE)],
                        deg_sh.at[pl.ds(sid * _STRIPE, _STRIPE)])
        pltpu.sync_copy(ones_hbm, ones_v)
        pltpu.sync_copy(ei_hbm.at[1, pl.ds(wid * kc, kc)], dst_v)
        plsc.subcore_barrier()

        def step(j, c):
            pltpu.sync_copy(ones_v, deg_sh.at[dst_v.at[j]], add=True)
            return c

        lax.fori_loop(0, kc, step, 0)
        plsc.subcore_barrier()
        pltpu.sync_copy(deg_sh.at[pl.ds(sid * _STRIPE, _STRIPE)],
                        out_hbm.at[cid, pl.ds(sid * _STRIPE, _STRIPE)])

    return deg_kernel


def _make_agg(kc):
    @functools.partial(
        pl.kernel,
        out_type=jax.ShapeDtypeStruct((_NC, _NPAD, _HW), jnp.float32),
        mesh=_mesh(),
        compiler_params=pltpu.CompilerParams(use_tc_tiling_on_sc=False, needs_layout_passes=False),
        scratch_types=[
            pltpu.VMEM((kc, _CHUNK), jnp.int32),
            pltpu.VMEM((kc, _CHUNK), jnp.int32),
            pltpu.VMEM((_CHUNK, _H), jnp.float32),
            pltpu.VMEM((_CHUNK, _H), jnp.float32),
            pltpu.VMEM_SHARED((_NPAD, _H), jnp.float32),
            pltpu.VMEM_SHARED((_NPAD, _H), jnp.float32),
            pltpu.SemaphoreType.DMA,
            pltpu.SemaphoreType.DMA,
        ],
    )
    def agg_kernel(hs_hbm, ei_hbm, zeros_hbm, out_hbm,
                   src_v, dst_v, rows0, rows1, agg_sh, hs_sh, sem0, sem1):
        cid = lax.axis_index("c")
        sid = lax.axis_index("s")
        wid = cid * _NS + sid
        pltpu.sync_copy(zeros_hbm.at[pl.ds(sid * _STRIPE, _STRIPE)],
                        agg_sh.at[pl.ds(sid * _STRIPE, _STRIPE)])
        pltpu.sync_copy(hs_hbm.at[pl.ds(sid * _STRIPE, _STRIPE), pl.ds(0, _H)],
                        hs_sh.at[pl.ds(sid * _STRIPE, _STRIPE)])
        pltpu.sync_copy(ei_hbm.at[0, pl.ds(wid * kc, kc)], src_v)
        pltpu.sync_copy(ei_hbm.at[1, pl.ds(wid * kc, kc)], dst_v)
        plsc.subcore_barrier()

        pltpu.async_copy(hs_sh.at[src_v.at[0]], rows0, sem0)
        pltpu.async_copy(hs_sh.at[src_v.at[1]], rows1, sem1)

        def step(p, c):
            j0 = 2 * p
            j1 = 2 * p + 1
            pltpu.make_async_copy(hs_sh.at[src_v.at[j0]], rows0, sem0).wait()
            pltpu.sync_copy(rows0, agg_sh.at[dst_v.at[j0]], add=True)

            @pl.when(j0 + 2 < kc)
            def _():
                pltpu.async_copy(hs_sh.at[src_v.at[j0 + 2]], rows0, sem0)

            pltpu.make_async_copy(hs_sh.at[src_v.at[j1]], rows1, sem1).wait()
            pltpu.sync_copy(rows1, agg_sh.at[dst_v.at[j1]], add=True)

            @pl.when(j1 + 2 < kc)
            def _():
                pltpu.async_copy(hs_sh.at[src_v.at[j1 + 2]], rows1, sem1)

            return c

        lax.fori_loop(0, kc // 2, step, 0)
        plsc.subcore_barrier()
        pltpu.sync_copy(agg_sh.at[pl.ds(sid * _STRIPE, _STRIPE)],
                        out_hbm.at[cid, pl.ds(sid * _STRIPE, _STRIPE),
                                   pl.ds(0, _H)])

    return agg_kernel


def _make_pool():
    @functools.partial(
        pl.kernel,
        out_type=(jax.ShapeDtypeStruct((_NW, _G + 1, _H), jnp.float32),
                  jax.ShapeDtypeStruct((_NW, _G + 1, _H), jnp.float32)),
        mesh=_mesh(),
        compiler_params=pltpu.CompilerParams(use_tc_tiling_on_sc=False, needs_layout_passes=False),
        scratch_types=[
            pltpu.VMEM((_PR, _H), jnp.float32),
            pltpu.VMEM((_PR + _L,), jnp.int32),
            pltpu.VMEM((_G + 1, _H), jnp.float32),
            pltpu.VMEM((_G + 1, _H), jnp.float32),
        ],
    )
    def pool_kernel(y_hbm, batch_hbm, stab0_hbm, mtab0_hbm,
                    outs_hbm, outm_hbm, y_v, b_v, stab, mtab):
        cid = lax.axis_index("c")
        sid = lax.axis_index("s")
        wid = cid * _NS + sid
        pltpu.sync_copy(y_hbm.at[pl.ds(wid * _PR, _PR), pl.ds(0, _H)], y_v)
        pltpu.sync_copy(batch_hbm.at[pl.ds(wid * _PR, _PR + _L)], b_v)
        pltpu.sync_copy(stab0_hbm, stab)
        pltpu.sync_copy(mtab0_hbm, mtab)

        lanes = lax.iota(jnp.int32, _L)
        neg = jnp.full((_L,), -jnp.inf, jnp.float32)
        zero = jnp.zeros((_L,), jnp.float32)

        def row(i, k):
            return y_v[i, pl.ds(k * _L, _L)]

        def step(i, carry):
            bprev, ms, ss = carry
            b = b_v[pl.ds(i, _L)][0]
            rs = tuple(row(i, k) for k in range(_H // _L))
            flush = b != bprev
            fm = jnp.broadcast_to(flush, (_L,))
            brow = jnp.full((_L,), bprev, jnp.int32)
            for k in range(_H // _L):
                plsc.store_scatter(stab, [brow, lanes + k * _L], ss[k], mask=fm)
                plsc.store_scatter(mtab, [brow, lanes + k * _L], ms[k], mask=fm)
            ms = tuple(jnp.where(fm, rs[k], jnp.maximum(ms[k], rs[k]))
                       for k in range(_H // _L))
            ss = tuple(jnp.where(fm, rs[k], ss[k] + rs[k])
                       for k in range(_H // _L))
            return b, ms, ss

        init = (b_v[pl.ds(0, _L)][0], (neg,) * (_H // _L), (zero,) * (_H // _L))
        bl, ms, ss = lax.fori_loop(0, _PR, step, init)
        brow = jnp.full((_L,), bl, jnp.int32)
        for k in range(_H // _L):
            plsc.store_scatter(stab, [brow, lanes + k * _L], ss[k])
            plsc.store_scatter(mtab, [brow, lanes + k * _L], ms[k])
        pltpu.sync_copy(stab, outs_hbm.at[wid])
        pltpu.sync_copy(mtab, outm_hbm.at[wid])

    return pool_kernel


def _tc_matmul1(x, W1):
    def body(x_ref, w_ref, o_ref):
        h = jnp.dot(x_ref[:], w_ref[:], preferred_element_type=jnp.float32)
        o_ref[:] = jnp.concatenate([h, jnp.zeros_like(h)], axis=1)

    nb = 10
    br = _N // nb
    return pl.pallas_call(
        body,
        grid=(nb,),
        in_specs=[pl.BlockSpec((br, _F), lambda i: (i, 0)),
                  pl.BlockSpec((_F, _H), lambda i: (0, 0))],
        out_specs=pl.BlockSpec((br, _HW), lambda i: (i, 0)),
        out_shape=jax.ShapeDtypeStruct((_NPAD, _HW), jnp.float32),
    )(x, W1)


def _dinv_of(degp_blk):
    deg = degp_blk[0, :, 0] + degp_blk[1, :, 0] + 1.0
    return lax.rsqrt(deg)


def _tc_hs1(degp, h1):
    def body(d_ref, h_ref, o_ref):
        dinv = _dinv_of(d_ref[:])
        o_ref[:] = h_ref[:] * dinv[:, None]

    return pl.pallas_call(
        body,
        grid=(_NPAD // _BR,),
        in_specs=[pl.BlockSpec((_NC, _BR, _DEGW), lambda i: (0, i, 0)),
                  pl.BlockSpec((_BR, _HW), lambda i: (i, 0))],
        out_specs=pl.BlockSpec((_BR, _HW), lambda i: (i, 0)),
        out_shape=jax.ShapeDtypeStruct((_NPAD, _HW), jnp.float32),
    )(degp, h1)


def _bn_relu(t, g, be, rm, rv):
    return jax.nn.relu((t - rm) * lax.rsqrt(rv + _EPS) * g + be)


def _tc_epi1(aggp, degp, hs1, b1, g1, be1, rm1, rv1, W2):
    def body(a_ref, d_ref, h_ref, b_ref, g_ref, be_ref, rm_ref, rv_ref,
             w_ref, o_ref):
        dinv = _dinv_of(d_ref[:])
        t = ((a_ref[0, :, :_H] + a_ref[1, :, :_H] + h_ref[:, :_H])
             * dinv[:, None] + b_ref[:])
        y = _bn_relu(t, g_ref[:], be_ref[:], rm_ref[:], rv_ref[:])
        hs2 = jnp.dot(y, w_ref[:],
                      preferred_element_type=jnp.float32) * dinv[:, None]
        o_ref[:] = jnp.concatenate([hs2, jnp.zeros_like(hs2)], axis=1)

    vspec = pl.BlockSpec((1, _H), lambda i: (0, 0))
    return pl.pallas_call(
        body,
        grid=(_NPAD // _BR,),
        in_specs=[pl.BlockSpec((_NC, _BR, _HW), lambda i: (0, i, 0)),
                  pl.BlockSpec((_NC, _BR, _DEGW), lambda i: (0, i, 0)),
                  pl.BlockSpec((_BR, _HW), lambda i: (i, 0)),
                  vspec, vspec, vspec, vspec, vspec,
                  pl.BlockSpec((_H, _H), lambda i: (0, 0))],
        out_specs=pl.BlockSpec((_BR, _HW), lambda i: (i, 0)),
        out_shape=jax.ShapeDtypeStruct((_NPAD, _HW), jnp.float32),
    )(aggp, degp, hs1, b1, g1, be1, rm1, rv1, W2)


def _tc_epi2(aggp, degp, hs2, b2, g2, be2, rm2, rv2):
    def body(a_ref, d_ref, h_ref, b_ref, g_ref, be_ref, rm_ref, rv_ref, o_ref):
        dinv = _dinv_of(d_ref[:])
        t = ((a_ref[0, :, :_H] + a_ref[1, :, :_H] + h_ref[:, :_H])
             * dinv[:, None] + b_ref[:])
        y = _bn_relu(t, g_ref[:], be_ref[:], rm_ref[:], rv_ref[:])
        o_ref[:] = jnp.concatenate([y, jnp.zeros_like(y)], axis=1)

    vspec = pl.BlockSpec((1, _H), lambda i: (0, 0))
    return pl.pallas_call(
        body,
        grid=(_NPAD // _BR,),
        in_specs=[pl.BlockSpec((_NC, _BR, _HW), lambda i: (0, i, 0)),
                  pl.BlockSpec((_NC, _BR, _DEGW), lambda i: (0, i, 0)),
                  pl.BlockSpec((_BR, _HW), lambda i: (i, 0)),
                  vspec, vspec, vspec, vspec, vspec],
        out_specs=pl.BlockSpec((_BR, _HW), lambda i: (i, 0)),
        out_shape=jax.ShapeDtypeStruct((_NPAD, _HW), jnp.float32),
    )(aggp, degp, hs2, b2, g2, be2, rm2, rv2)


def _tc_readout(sump, maxp, batch2d, Wr1, br1, Wr2, br2):
    def body(s_ref, m_ref, bt_ref, w1_ref, b1_ref, w2_ref, b2_ref, o_ref):
        sums = jnp.sum(s_ref[:], axis=0)[:_G]
        maxs = jnp.max(m_ref[:], axis=0)[:_G]
        seg = lax.broadcasted_iota(jnp.int32, (_G,) + bt_ref.shape, 0)
        eq = (bt_ref[:][None, :, :] == seg).astype(jnp.float32)
        cnt = jnp.sum(eq, axis=(1, 2))
        mean = sums / jnp.maximum(cnt, 1.0)[:, None]
        z = jnp.concatenate([mean, maxs], axis=1)
        r = jax.nn.relu(jnp.dot(z, w1_ref[:],
                                preferred_element_type=jnp.float32) + b1_ref[:])
        o_ref[:] = jnp.dot(r, w2_ref[:],
                           preferred_element_type=jnp.float32) + b2_ref[:]

    return pl.pallas_call(
        body,
        out_shape=jax.ShapeDtypeStruct((_G, 1), jnp.float32),
    )(sump, maxp, batch2d, Wr1, br1, Wr2, br2)


def kernel(x, edge_index, batch, W1, b1, g1, be1, rm1, rv1,
           W2, b2, g2, be2, rm2, rv2, Wr1, br1, Wr2, br2):
    E = edge_index.shape[1]
    kt = 32 * (-(-E // (_CHUNK * _NS * 32)))
    kcd = kt * _NS // _NW
    nch = _NS * kt
    epad = nch * _CHUNK

    ei = jnp.pad(edge_index, ((0, 0), (0, epad - E)),
                 constant_values=_N).reshape(2, nch, _CHUNK)
    batchp = jnp.pad(batch, (0, _NPAD - _N), constant_values=_G)
    batchpl = jnp.pad(batch, (0, _NPAD + _L - _N), constant_values=_G)

    zeros_deg = jnp.zeros((_NPAD, _DEGW), jnp.float32)
    ones_deg = jnp.ones((_CHUNK, _DEGW), jnp.float32)
    zeros_h = jnp.zeros((_NPAD, _H), jnp.float32)
    stab0 = jnp.zeros((_G + 1, _H), jnp.float32)
    mtab0 = jnp.full((_G + 1, _H), -jnp.inf, jnp.float32)

    agg = _make_agg(kcd)

    degp = _make_deg(kcd)(ei, zeros_deg, ones_deg)
    h1 = _tc_matmul1(x, W1)
    hs1 = _tc_hs1(degp, h1)
    aggp1 = agg(hs1, ei, zeros_h)
    hs2 = _tc_epi1(aggp1, degp, hs1, b1.reshape(1, _H), g1.reshape(1, _H),
                   be1.reshape(1, _H), rm1.reshape(1, _H), rv1.reshape(1, _H),
                   W2)
    aggp2 = agg(hs2, ei, zeros_h)
    y3 = _tc_epi2(aggp2, degp, hs2, b2.reshape(1, _H), g2.reshape(1, _H),
                  be2.reshape(1, _H), rm2.reshape(1, _H), rv2.reshape(1, _H))
    sumsf, maxsf = _make_pool()(y3, batchpl, stab0, mtab0)
    out = _tc_readout(sumsf, maxsf,
                      batchp.reshape(-1, 128), Wr1,
                      br1.reshape(1, _RH), Wr2, br2.reshape(1, 1))
    return out

# --- scband reference (transcript-rebuilt; emitter-appended) ---
"""Pipeline reference for scband-gcn-74062416052274 (READ-ONLY COPY).

The authoritative reference and input builder live on the scoring server;
editing this copy changes nothing except your own understanding.
"""

import jax, jax.numpy as jnp
import numpy as np

N = 10000
E = 320000
F = 128
H = 64
G = 64
RH = max(H // 2, 16)
EPS = 1e-5

def setup_inputs(seed: int = 0):
    key = jax.random.key(seed)
    ks = jax.random.split(key, 8)
    x = jax.random.normal(ks[0], (N, F), dtype=jnp.float32)
    edge_index = jax.random.randint(ks[1], (2, E), 0, N, dtype=jnp.int32)
    batch = jnp.sort(jax.random.randint(ks[2], (N,), 0, G, dtype=jnp.int32))
    W1 = jax.random.normal(ks[3], (F, H), dtype=jnp.float32) / np.sqrt(F)
    b1 = jnp.zeros((H,), dtype=jnp.float32)
    W2 = jax.random.normal(ks[4], (H, H), dtype=jnp.float32) / np.sqrt(H)
    b2 = jnp.zeros((H,), dtype=jnp.float32)
    g1 = jnp.ones((H,), dtype=jnp.float32); be1 = jnp.zeros((H,), dtype=jnp.float32)
    rm1 = jnp.zeros((H,), dtype=jnp.float32); rv1 = jnp.ones((H,), dtype=jnp.float32)
    g2 = jnp.ones((H,), dtype=jnp.float32); be2 = jnp.zeros((H,), dtype=jnp.float32)
    rm2 = jnp.zeros((H,), dtype=jnp.float32); rv2 = jnp.ones((H,), dtype=jnp.float32)
    Wr1 = jax.random.normal(ks[5], (2 * H, RH), dtype=jnp.float32) / np.sqrt(2 * H)
    br1 = jnp.zeros((RH,), dtype=jnp.float32)
    Wr2 = jax.random.normal(ks[6], (RH, 1), dtype=jnp.float32) / np.sqrt(RH)
    br2 = jnp.zeros((1,), dtype=jnp.float32)
    return {"x": x, "edge_index": edge_index, "batch": batch,
            "W1": W1, "b1": b1, "g1": g1, "be1": be1, "rm1": rm1, "rv1": rv1,
            "W2": W2, "b2": b2, "g2": g2, "be2": be2, "rm2": rm2, "rv2": rv2,
            "Wr1": Wr1, "br1": br1, "Wr2": Wr2, "br2": br2}

def _gcn_conv(x, src, dst, W, b):
    # PyG GCNConv: add self-loops, symmetric normalization, scatter-add aggregation
    h = x @ W
    loop = jnp.arange(N, dtype=src.dtype)
    s = jnp.concatenate([src, loop])
    d = jnp.concatenate([dst, loop])
    deg = jnp.zeros((N,), dtype=h.dtype).at[d].add(1.0)
    dinv = jnp.where(deg > 0, jax.lax.rsqrt(deg), 0.0)
    norm = dinv[s] * dinv[d]
    msg = h[s] * norm[:, None]
    out = jnp.zeros((N, h.shape[1]), dtype=h.dtype).at[d].add(msg)
    return out + b

def _bn_eval(x, g, be, rm, rv):
    return (x - rm) * jax.lax.rsqrt(rv + EPS) * g + be

def reference(x, edge_index, batch, W1, b1, g1, be1, rm1, rv1, W2, b2, g2, be2, rm2, rv2, Wr1, br1, Wr2, br2):
    src, dst = edge_index[0], edge_index[1]
    h = _gcn_conv(x, src, dst, W1, b1)
    h = jax.nn.relu(_bn_eval(h, g1, be1, rm1, rv1))
    h = _gcn_conv(h, src, dst, W2, b2)
    h = jax.nn.relu(_bn_eval(h, g2, be2, rm2, rv2))
    cnt = jax.ops.segment_sum(jnp.ones((N,), dtype=h.dtype), batch, num_segments=G)
    mean_pool = jax.ops.segment_sum(h, batch, num_segments=G) / jnp.clip(cnt, 1.0)[:, None]
    max_pool = jax.ops.segment_max(h, batch, num_segments=G)
    z = jnp.concatenate([mean_pool, max_pool], axis=1)
    z = jax.nn.relu(z @ Wr1 + br1)
    out = z @ Wr2 + br2
    return out

if __name__ == "__main__":
    import jax
    _d = setup_inputs()
    print(jax.jit(kernel)(*tuple(_d.values())))

</pallas_src>

<mosaic_0001>
#map = affine_map<(d0, d1) -> (0, 0)>
#map1 = affine_map<(d0, d1) -> (0, 0, 0)>
module attributes {stable_mosaic.version = 14 : i64} {
  func.func @agg_kernel(%arg0: i32, %arg1: i32, %arg2: memref<10240x128xf32, #tpu.memory_space<hbm>>, %arg3: memref<2x2560x128xi32, #tpu.memory_space<hbm>>, %arg4: memref<10240x64xf32, #tpu.memory_space<hbm>>, %arg5: memref<2x10240x128xf32, #tpu.memory_space<hbm>>, %arg6: memref<80x128xi32, #tpu.memory_space<vmem>>, %arg7: memref<80x128xi32, #tpu.memory_space<vmem>>, %arg8: memref<128x64xf32, #tpu.memory_space<vmem>>, %arg9: memref<128x64xf32, #tpu.memory_space<vmem>>, %arg10: memref<10240x64xf32, #tpu.memory_space<vmem_shared>>, %arg11: memref<10240x64xf32, #tpu.memory_space<vmem_shared>>, %arg12: memref<!tpu.dma_semaphore, #tpu.memory_space<semaphore_mem>>, %arg13: memref<!tpu.dma_semaphore, #tpu.memory_space<semaphore_mem>>) attributes {dimension_semantics = [#tpu.dimension_semantics<core_parallel>, #tpu.dimension_semantics<subcore_parallel>], iteration_bounds = array<i64: 2, 16>, scalar_prefetch = 0 : i64, scratch_operands = 8 : i64, tpu.core_type = #tpu.core_type<sc_vector_subcore>, window_params = [{transform_indices = #map}, {transform_indices = #map1}, {transform_indices = #map}, {transform_indices = #map1}]} {
    %mul3A = arith.constant 16 : i32
    %mul3A_0 = arith.muli %arg0, %mul3A : i32
    %add3A = arith.addi %mul3A_0, %arg1 : i32
    %mul3A_1 = arith.constant 640 : i32
    %mul3A_2 = arith.muli %arg1, %mul3A_1 : i32
    %mul3A_3 = arith.constant 640 : i32
    %mul3A_4 = arith.muli %arg1, %mul3A_3 : i32
    "tpu.region"() ({
      %run_scoped3A_37 = tpu.sem_alloc : memref<!tpu.dma_semaphore, #tpu.memory_space<semaphore_mem>>
      %dma_start3A_38 = arith.constant 0 : i32
      %dma_start3A_39 = tpu.memref_slice %arg10[%mul3A_4, %dma_start3A_38] : memref<10240x64xf32, #tpu.memory_space<vmem_shared>> -> memref<640x64xf32, #tpu.memory_space<vmem_shared>>
      %dma_start3A_40 = arith.constant 0 : i32
      %dma_start3A_41 = tpu.memref_slice %arg4[%mul3A_2, %dma_start3A_40] : memref<10240x64xf32, #tpu.memory_space<hbm>> -> memref<640x64xf32, #tpu.memory_space<hbm>>
      tpu.enqueue_dma source(%dma_start3A_41 : memref<640x64xf32, #tpu.memory_space<hbm>>) target(%dma_start3A_39 : memref<640x64xf32, #tpu.memory_space<vmem_shared>>) target_semaphore(%run_scoped3A_37 : memref<!tpu.dma_semaphore, #tpu.memory_space<semaphore_mem>>)
      %dma_wait3A = arith.constant 0 : i32
      %dma_wait3A_42 = tpu.memref_slice %arg10[%mul3A_4, %dma_wait3A] : memref<10240x64xf32, #tpu.memory_space<vmem_shared>> -> memref<640x64xf32, #tpu.memory_space<vmem_shared>>
      %dma_wait3A_43 = arith.constant 0 : i32
      %dma_wait3A_44 = tpu.memref_slice %arg4[%mul3A_2, %dma_wait3A_43] : memref<10240x64xf32, #tpu.memory_space<hbm>> -> memref<640x64xf32, #tpu.memory_space<hbm>>
      tpu.wait_dma2 semaphore(%run_scoped3A_37 : memref<!tpu.dma_semaphore, #tpu.memory_space<semaphore_mem>>) src(%dma_wait3A_44 : memref<640x64xf32, #tpu.memory_space<hbm>>) dst(%dma_wait3A_42 : memref<640x64xf32, #tpu.memory_space<vmem_shared>>)
      tpu.yield
    }) : () -> ()
    %mul3A_5 = arith.constant 640 : i32
    %mul3A_6 = arith.muli %arg1, %mul3A_5 : i32
    %mul3A_7 = arith.constant 640 : i32
    %mul3A_8 = arith.muli %arg1, %mul3A_7 : i32
    "tpu.region"() ({
      %run_scoped3A_37 = tpu.sem_alloc : memref<!tpu.dma_semaphore, #tpu.memory_space<semaphore_mem>>
      %dma_start3A_38 = arith.constant 0 : i32
      %dma_start3A_39 = tpu.memref_slice %arg11[%mul3A_8, %dma_start3A_38] : memref<10240x64xf32, #tpu.memory_space<vmem_shared>> -> memref<640x64xf32, #tpu.memory_space<vmem_shared>>
      %dma_start3A_40 = arith.constant 0 : i32
      %dma_start3A_41 = tpu.memref_slice %arg2[%mul3A_6, %dma_start3A_40] : memref<10240x128xf32, #tpu.memory_space<hbm>> -> memref<640x64xf32, #tpu.memory_space<hbm>>
      tpu.enqueue_dma source(%dma_start3A_41 : memref<640x64xf32, #tpu.memory_space<hbm>>) target(%dma_start3A_39 : memref<640x64xf32, #tpu.memory_space<vmem_shared>>) target_semaphore(%run_scoped3A_37 : memref<!tpu.dma_semaphore, #tpu.memory_space<semaphore_mem>>)
      %dma_wait3A = arith.constant 0 : i32
      %dma_wait3A_42 = tpu.memref_slice %arg11[%mul3A_8, %dma_wait3A] : memref<10240x64xf32, #tpu.memory_space<vmem_shared>> -> memref<640x64xf32, #tpu.memory_space<vmem_shared>>
      %dma_wait3A_43 = arith.constant 0 : i32
      %dma_wait3A_44 = tpu.memref_slice %arg2[%mul3A_6, %dma_wait3A_43] : memref<10240x128xf32, #tpu.memory_space<hbm>> -> memref<640x64xf32, #tpu.memory_space<hbm>>
      tpu.wait_dma2 semaphore(%run_scoped3A_37 : memref<!tpu.dma_semaphore, #tpu.memory_space<semaphore_mem>>) src(%dma_wait3A_44 : memref<640x64xf32, #tpu.memory_space<hbm>>) dst(%dma_wait3A_42 : memref<640x64xf32, #tpu.memory_space<vmem_shared>>)
      tpu.yield
    }) : () -> ()
    %mul3A_9 = arith.constant 80 : i32
    %mul3A_10 = arith.muli %add3A, %mul3A_9 : i32
    %run_scoped3A = arith.constant 0 : i32
    "tpu.region"() ({
      %run_scoped3A_37 = tpu.sem_alloc : memref<!tpu.dma_semaphore, #tpu.memory_space<semaphore_mem>>
      %dma_start3A_38 = arith.constant 0 : i32
      %dma_start3A_39 = tpu.memref_slice %arg3[%run_scoped3A, %mul3A_10, %dma_start3A_38] : memref<2x2560x128xi32, #tpu.memory_space<hbm>> -> memref<1x80x128xi32, #tpu.memory_space<hbm>>
      %dma_start3A_40 = tpu.memref_squeeze %dma_start3A_39 : memref<1x80x128xi32, #tpu.memory_space<hbm>> -> memref<80x128xi32, #tpu.memory_space<hbm>>
      %dma_start3A_41 = arith.constant 0 : i32
      %dma_start3A_42 = tpu.memref_slice %arg3[%run_scoped3A, %mul3A_10, %dma_start3A_41] : memref<2x2560x128xi32, #tpu.memory_space<hbm>> -> memref<1x80x128xi32, #tpu.memory_space<hbm>>
      %dma_start3A_43 = tpu.memref_squeeze %dma_start3A_42 : memref<1x80x128xi32, #tpu.memory_space<hbm>> -> memref<80x128xi32, #tpu.memory_space<hbm>>
      tpu.enqueue_dma source(%dma_start3A_43 : memref<80x128xi32, #tpu.memory_space<hbm>>) target(%arg6 : memref<80x128xi32, #tpu.memory_space<vmem>>) target_semaphore(%run_scoped3A_37 : memref<!tpu.dma_semaphore, #tpu.memory_space<semaphore_mem>>)
      %dma_wait3A = arith.constant 0 : i32
      %dma_wait3A_44 = tpu.memref_slice %arg3[%run_scoped3A, %mul3A_10, %dma_wait3A] : memref<2x2560x128xi32, #tpu.memory_space<hbm>> -> memref<1x80x128xi32, #tpu.memory_space<hbm>>
      %dma_wait3A_45 = tpu.memref_squeeze %dma_wait3A_44 : memref<1x80x128xi32, #tpu.memory_space<hbm>> -> memref<80x128xi32, #tpu.memory_space<hbm>>
      %dma_wait3A_46 = arith.constant 0 : i32
      %dma_wait3A_47 = tpu.memref_slice %arg3[%run_scoped3A, %mul3A_10, %dma_wait3A_46] : memref<2x2560x128xi32, #tpu.memory_space<hbm>> -> memref<1x80x128xi32, #tpu.memory_space<hbm>>
      %dma_wait3A_48 = tpu.memref_squeeze %dma_wait3A_47 : memref<1x80x128xi32, #tpu.memory_space<hbm>> -> memref<80x128xi32, #tpu.memory_space<hbm>>
      tpu.wait_dma2 semaphore(%run_scoped3A_37 : memref<!tpu.dma_semaphore, #tpu.memory_space<semaphore_mem>>) src(%dma_wait3A_48 : memref<80x128xi32, #tpu.memory_space<hbm>>) dst(%arg6 : memref<80x128xi32, #tpu.memory_space<vmem>>)
      tpu.yield
    }) : () -> ()
    %mul3A_11 = arith.constant 80 : i32
    %mul3A_12 = arith.muli %add3A, %mul3A_11 : i32
    %run_scoped3A_13 = arith.constant 1 : i32
    "tpu.region"() ({
      %run_scoped3A_37 = tpu.sem_alloc : memref<!tpu.dma_semaphore, #tpu.memory_space<semaphore_mem>>
      %dma_start3A_38 = arith.constant 0 : i32
      %dma_start3A_39 = tpu.memref_slice %arg3[%run_scoped3A_13, %mul3A_12, %dma_start3A_38] : memref<2x2560x128xi32, #tpu.memory_space<hbm>> -> memref<1x80x128xi32, #tpu.memory_space<hbm>>
      %dma_start3A_40 = tpu.memref_squeeze %dma_start3A_39 : memref<1x80x128xi32, #tpu.memory_space<hbm>> -> memref<80x128xi32, #tpu.memory_space<hbm>>
      %dma_start3A_41 = arith.constant 0 : i32
      %dma_start3A_42 = tpu.memref_slice %arg3[%run_scoped3A_13, %mul3A_12, %dma_start3A_41] : memref<2x2560x128xi32, #tpu.memory_space<hbm>> -> memref<1x80x128xi32, #tpu.memory_space<hbm>>
      %dma_start3A_43 = tpu.memref_squeeze %dma_start3A_42 : memref<1x80x128xi32, #tpu.memory_space<hbm>> -> memref<80x128xi32, #tpu.memory_space<hbm>>
      tpu.enqueue_dma source(%dma_start3A_43 : memref<80x128xi32, #tpu.memory_space<hbm>>) target(%arg7 : memref<80x128xi32, #tpu.memory_space<vmem>>) target_semaphore(%run_scoped3A_37 : memref<!tpu.dma_semaphore, #tpu.memory_space<semaphore_mem>>)
      %dma_wait3A = arith.constant 0 : i32
      %dma_wait3A_44 = tpu.memref_slice %arg3[%run_scoped3A_13, %mul3A_12, %dma_wait3A] : memref<2x2560x128xi32, #tpu.memory_space<hbm>> -> memref<1x80x128xi32, #tpu.memory_space<hbm>>
      %dma_wait3A_45 = tpu.memref_squeeze %dma_wait3A_44 : memref<1x80x128xi32, #tpu.memory_space<hbm>> -> memref<80x128xi32, #tpu.memory_space<hbm>>
      %dma_wait3A_46 = arith.constant 0 : i32
      %dma_wait3A_47 = tpu.memref_slice %arg3[%run_scoped3A_13, %mul3A_12, %dma_wait3A_46] : memref<2x2560x128xi32, #tpu.memory_space<hbm>> -> memref<1x80x128xi32, #tpu.memory_space<hbm>>
      %dma_wait3A_48 = tpu.memref_squeeze %dma_wait3A_47 : memref<1x80x128xi32, #tpu.memory_space<hbm>> -> memref<80x128xi32, #tpu.memory_space<hbm>>
      tpu.wait_dma2 semaphore(%run_scoped3A_37 : memref<!tpu.dma_semaphore, #tpu.memory_space<semaphore_mem>>) src(%dma_wait3A_48 : memref<80x128xi32, #tpu.memory_space<hbm>>) dst(%arg7 : memref<80x128xi32, #tpu.memory_space<vmem>>)
      tpu.yield
    }) : () -> ()
    %barrier3A = arith.constant 0 : index
    tpu.barrier barrier_id(%barrier3A)
    %dma_start3A = arith.constant 0 : i32
    %dma_start3A_14 = arith.constant 0 : i32
    %dma_start3A_15 = tpu.memref_slice %arg6[%dma_start3A, %dma_start3A_14] : memref<80x128xi32, #tpu.memory_space<vmem>> -> memref<1x128xi32, #tpu.memory_space<vmem>>
    %dma_start3A_16 = tpu.memref_squeeze %dma_start3A_15 : memref<1x128xi32, #tpu.memory_space<vmem>> -> memref<128xi32, #tpu.memory_space<vmem>>
    %dma_start3A_17 = arith.constant 0 : i32
    %dma_start3A_18 = arith.constant 0 : i32
    %dma_start3A_19 = tpu.memref_slice %arg11[%dma_start3A_17, %dma_start3A_18] : memref<10240x64xf32, #tpu.memory_space<vmem_shared>> -> memref<10240x64xf32, #tpu.memory_space<vmem_shared>>
    tpu.enqueue_indirect_dma source(%dma_start3A_19 : memref<10240x64xf32, #tpu.memory_space<vmem_shared>>) target(%arg8 : memref<128x64xf32, #tpu.memory_space<vmem>>) offsets(%dma_start3A_16 : memref<128xi32, #tpu.memory_space<vmem>>) semaphore(%arg12 : memref<!tpu.dma_semaphore, #tpu.memory_space<semaphore_mem>>)
    %dma_start3A_20 = arith.constant 1 : i32
    %dma_start3A_21 = arith.constant 0 : i32
    %dma_start3A_22 = tpu.memref_slice %arg6[%dma_start3A_20, %dma_start3A_21] : memref<80x128xi32, #tpu.memory_space<vmem>> -> memref<1x128xi32, #tpu.memory_space<vmem>>
    %dma_start3A_23 = tpu.memref_squeeze %dma_start3A_22 : memref<1x128xi32, #tpu.memory_space<vmem>> -> memref<128xi32, #tpu.memory_space<vmem>>
    %dma_start3A_24 = arith.constant 0 : i32
    %dma_start3A_25 = arith.constant 0 : i32
    %dma_start3A_26 = tpu.memref_slice %arg11[%dma_start3A_24, %dma_start3A_25] : memref<10240x64xf32, #tpu.memory_space<vmem_shared>> -> memref<10240x64xf32, #tpu.memory_space<vmem_shared>>
    tpu.enqueue_indirect_dma source(%dma_start3A_26 : memref<10240x64xf32, #tpu.memory_space<vmem_shared>>) target(%arg9 : memref<128x64xf32, #tpu.memory_space<vmem>>) offsets(%dma_start3A_23 : memref<128xi32, #tpu.memory_space<vmem>>) semaphore(%arg13 : memref<!tpu.dma_semaphore, #tpu.memory_space<semaphore_mem>>)
    %scan3A = arith.constant 0 : i32
    %scan3A_27 = arith.constant 0 : i32
    %scan3A_28 = arith.constant 40 : i32
    %scan3A_29 = arith.addi %scan3A_27, %scan3A_28 : i32
    %scan3A_30 = arith.constant 1 : i32
    scf.for %scan3A_37 = %scan3A_27 to %scan3A_29 step %scan3A_30  : i32 {
      %mul3A_38 = arith.constant 2 : i32
      %mul3A_39 = arith.muli %mul3A_38, %scan3A_37 : i32
      %mul3A_40 = arith.constant 2 : i32
      %mul3A_41 = arith.muli %mul3A_40, %scan3A_37 : i32
      %add3A_42 = arith.constant 1 : i32
      %add3A_43 = arith.addi %mul3A_41, %add3A_42 : i32
      %dma_wait3A = arith.constant 0 : i32
      %dma_wait3A_44 = tpu.memref_slice %arg6[%mul3A_39, %dma_wait3A] : memref<80x128xi32, #tpu.memory_space<vmem>> -> memref<1x128xi32, #tpu.memory_space<vmem>>
      %dma_wait3A_45 = tpu.memref_squeeze %dma_wait3A_44 : memref<1x128xi32, #tpu.memory_space<vmem>> -> memref<128xi32, #tpu.memory_space<vmem>>
      %dma_wait3A_46 = arith.constant 0 : i32
      %dma_wait3A_47 = arith.constant 0 : i32
      %dma_wait3A_48 = tpu.memref_slice %arg11[%dma_wait3A_46, %dma_wait3A_47] : memref<10240x64xf32, #tpu.memory_space<vmem_shared>> -> memref<10240x64xf32, #tpu.memory_space<vmem_shared>>
      tpu.wait_indirect_dma semaphore(%arg12 : memref<!tpu.dma_semaphore, #tpu.memory_space<semaphore_mem>>) src(%dma_wait3A_48 : memref<10240x64xf32, #tpu.memory_space<vmem_shared>>) dst(%arg8 : memref<128x64xf32, #tpu.memory_space<vmem>>)
      "tpu.region"() ({
        %run_scoped3A_66 = tpu.sem_alloc : memref<!tpu.dma_semaphore, #tpu.memory_space<semaphore_mem>>
        %dma_start3A_67 = arith.constant 0 : i32
        %dma_start3A_68 = tpu.memref_slice %arg7[%mul3A_39, %dma_start3A_67] : memref<80x128xi32, #tpu.memory_space<vmem>> -> memref<1x128xi32, #tpu.memory_space<vmem>>
        %dma_start3A_69 = tpu.memref_squeeze %dma_start3A_68 : memref<1x128xi32, #tpu.memory_space<vmem>> -> memref<128xi32, #tpu.memory_space<vmem>>
        %dma_start3A_70 = arith.constant 0 : i32
        %dma_start3A_71 = arith.constant 0 : i32
        %dma_start3A_72 = tpu.memref_slice %arg10[%dma_start3A_70, %dma_start3A_71] : memref<10240x64xf32, #tpu.memory_space<vmem_shared>> -> memref<10240x64xf32, #tpu.memory_space<vmem_shared>>
        tpu.enqueue_indirect_dma source(%arg8 : memref<128x64xf32, #tpu.memory_space<vmem>>) target(%dma_start3A_72 : memref<10240x64xf32, #tpu.memory_space<vmem_shared>>) offsets(%dma_start3A_69 : memref<128xi32, #tpu.memory_space<vmem>>) semaphore(%run_scoped3A_66 : memref<!tpu.dma_semaphore, #tpu.memory_space<semaphore_mem>>) {add = true}
        %dma_wait3A_73 = arith.constant 0 : i32
        %dma_wait3A_74 = tpu.memref_slice %arg7[%mul3A_39, %dma_wait3A_73] : memref<80x128xi32, #tpu.memory_space<vmem>> -> memref<1x128xi32, #tpu.memory_space<vmem>>
        %dma_wait3A_75 = tpu.memref_squeeze %dma_wait3A_74 : memref<1x128xi32, #tpu.memory_space<vmem>> -> memref<128xi32, #tpu.memory_space<vmem>>
        %dma_wait3A_76 = arith.constant 0 : i32
        %dma_wait3A_77 = arith.constant 0 : i32
        %dma_wait3A_78 = tpu.memref_slice %arg10[%dma_wait3A_76, %dma_wait3A_77] : memref<10240x64xf32, #tpu.memory_space<vmem_shared>> -> memref<10240x64xf32, #tpu.memory_space<vmem_shared>>
        tpu.wait_indirect_dma semaphore(%run_scoped3A_66 : memref<!tpu.dma_semaphore, #tpu.memory_space<semaphore_mem>>) src(%arg8 : memref<128x64xf32, #tpu.memory_space<vmem>>) dst(%dma_wait3A_78 : memref<10240x64xf32, #tpu.memory_space<vmem_shared>>)
        tpu.yield
      }) : () -> ()
      %add3A_49 = arith.constant 2 : i32
      %add3A_50 = arith.addi %mul3A_39, %add3A_49 : i32
      %lt3A = arith.constant 80 : i32
      %lt3A_51 = arith.cmpi slt, %add3A_50, %lt3A : i32
      %convert_element_type3A = arith.extui %lt3A_51 : i1 to i32
      %cond3A = arith.constant 0 : i32
      %cond3A_52 = arith.cmpi ne, %convert_element_type3A, %cond3A : i32
      scf.if %cond3A_52 {
        %add3A_66 = arith.constant 2 : i32
        %add3A_67 = arith.addi %mul3A_39, %add3A_66 : i32
        %dma_start3A_68 = arith.constant 0 : i32
        %dma_start3A_69 = tpu.memref_slice %arg6[%add3A_67, %dma_start3A_68] : memref<80x128xi32, #tpu.memory_space<vmem>> -> memref<1x128xi32, #tpu.memory_space<vmem>>
        %dma_start3A_70 = tpu.memref_squeeze %dma_start3A_69 : memref<1x128xi32, #tpu.memory_space<vmem>> -> memref<128xi32, #tpu.memory_space<vmem>>
        %dma_start3A_71 = arith.constant 0 : i32
        %dma_start3A_72 = arith.constant 0 : i32
        %dma_start3A_73 = tpu.memref_slice %arg11[%dma_start3A_71, %dma_start3A_72] : memref<10240x64xf32, #tpu.memory_space<vmem_shared>> -> memref<10240x64xf32, #tpu.memory_space<vmem_shared>>
        tpu.enqueue_indirect_dma source(%dma_start3A_73 : memref<10240x64xf32, #tpu.memory_space<vmem_shared>>) target(%arg8 : memref<128x64xf32, #tpu.memory_space<vmem>>) offsets(%dma_start3A_70 : memref<128xi32, #tpu.memory_space<vmem>>) semaphore(%arg12 : memref<!tpu.dma_semaphore, #tpu.memory_space<semaphore_mem>>)
      } else {
      }
      %dma_wait3A_53 = arith.constant 0 : i32
      %dma_wait3A_54 = tpu.memref_slice %arg6[%add3A_43, %dma_wait3A_53] : memref<80x128xi32, #tpu.memory_space<vmem>> -> memref<1x128xi32, #tpu.memory_space<vmem>>
      %dma_wait3A_55 = tpu.memref_squeeze %dma_wait3A_54 : memref<1x128xi32, #tpu.memory_space<vmem>> -> memref<128xi32, #tpu.memory_space<vmem>>
      %dma_wait3A_56 = arith.constant 0 : i32
      %dma_wait3A_57 = arith.constant 0 : i32
      %dma_wait3A_58 = tpu.memref_slice %arg11[%dma_wait3A_56, %dma_wait3A_57] : memref<10240x64xf32, #tpu.memory_space<vmem_shared>> -> memref<10240x64xf32, #tpu.memory_space<vmem_shared>>
      tpu.wait_indirect_dma semaphore(%arg13 : memref<!tpu.dma_semaphore, #tpu.memory_space<semaphore_mem>>) src(%dma_wait3A_58 : memref<10240x64xf32, #tpu.memory_space<vmem_shared>>) dst(%arg9 : memref<128x64xf32, #tpu.memory_space<vmem>>)
      "tpu.region"() ({
        %run_scoped3A_66 = tpu.sem_alloc : memref<!tpu.dma_semaphore, #tpu.memory_space<semaphore_mem>>
        %dma_start3A_67 = arith.constant 0 : i32
        %dma_start3A_68 = tpu.memref_slice %arg7[%add3A_43, %dma_start3A_67] : memref<80x128xi32, #tpu.memory_space<vmem>> -> memref<1x128xi32, #tpu.memory_space<vmem>>
        %dma_start3A_69 = tpu.memref_squeeze %dma_start3A_68 : memref<1x128xi32, #tpu.memory_space<vmem>> -> memref<128xi32, #tpu.memory_space<vmem>>
        %dma_start3A_70 = arith.constant 0 : i32
        %dma_start3A_71 = arith.constant 0 : i32
        %dma_start3A_72 = tpu.memref_slice %arg10[%dma_start3A_70, %dma_start3A_71] : memref<10240x64xf32, #tpu.memory_space<vmem_shared>> -> memref<10240x64xf32, #tpu.memory_space<vmem_shared>>
        tpu.enqueue_indirect_dma source(%arg9 : memref<128x64xf32, #tpu.memory_space<vmem>>) target(%dma_start3A_72 : memref<10240x64xf32, #tpu.memory_space<vmem_shared>>) offsets(%dma_start3A_69 : memref<128xi32, #tpu.memory_space<vmem>>) semaphore(%run_scoped3A_66 : memref<!tpu.dma_semaphore, #tpu.memory_space<semaphore_mem>>) {add = true}
        %dma_wait3A_73 = arith.constant 0 : i32
        %dma_wait3A_74 = tpu.memref_slice %arg7[%add3A_43, %dma_wait3A_73] : memref<80x128xi32, #tpu.memory_space<vmem>> -> memref<1x128xi32, #tpu.memory_space<vmem>>
        %dma_wait3A_75 = tpu.memref_squeeze %dma_wait3A_74 : memref<1x128xi32, #tpu.memory_space<vmem>> -> memref<128xi32, #tpu.memory_space<vmem>>
        %dma_wait3A_76 = arith.constant 0 : i32
        %dma_wait3A_77 = arith.constant 0 : i32
        %dma_wait3A_78 = tpu.memref_slice %arg10[%dma_wait3A_76, %dma_wait3A_77] : memref<10240x64xf32, #tpu.memory_space<vmem_shared>> -> memref<10240x64xf32, #tpu.memory_space<vmem_shared>>
        tpu.wait_indirect_dma semaphore(%run_scoped3A_66 : memref<!tpu.dma_semaphore, #tpu.memory_space<semaphore_mem>>) src(%arg9 : memref<128x64xf32, #tpu.memory_space<vmem>>) dst(%dma_wait3A_78 : memref<10240x64xf32, #tpu.memory_space<vmem_shared>>)
        tpu.yield
      }) : () -> ()
      %add3A_59 = arith.constant 2 : i32
      %add3A_60 = arith.addi %add3A_43, %add3A_59 : i32
      %lt3A_61 = arith.constant 80 : i32
      %lt3A_62 = arith.cmpi slt, %add3A_60, %lt3A_61 : i32
      %convert_element_type3A_63 = arith.extui %lt3A_62 : i1 to i32
      %cond3A_64 = arith.constant 0 : i32
      %cond3A_65 = arith.cmpi ne, %convert_element_type3A_63, %cond3A_64 : i32
      scf.if %cond3A_65 {
        %add3A_66 = arith.constant 2 : i32
        %add3A_67 = arith.addi %add3A_43, %add3A_66 : i32
        %dma_start3A_68 = arith.constant 0 : i32
        %dma_start3A_69 = tpu.memref_slice %arg6[%add3A_67, %dma_start3A_68] : memref<80x128xi32, #tpu.memory_space<vmem>> -> memref<1x128xi32, #tpu.memory_space<vmem>>
        %dma_start3A_70 = tpu.memref_squeeze %dma_start3A_69 : memref<1x128xi32, #tpu.memory_space<vmem>> -> memref<128xi32, #tpu.memory_space<vmem>>
        %dma_start3A_71 = arith.constant 0 : i32
        %dma_start3A_72 = arith.constant 0 : i32
        %dma_start3A_73 = tpu.memref_slice %arg11[%dma_start3A_71, %dma_start3A_72] : memref<10240x64xf32, #tpu.memory_space<vmem_shared>> -> memref<10240x64xf32, #tpu.memory_space<vmem_shared>>
        tpu.enqueue_indirect_dma source(%dma_start3A_73 : memref<10240x64xf32, #tpu.memory_space<vmem_shared>>) target(%arg9 : memref<128x64xf32, #tpu.memory_space<vmem>>) offsets(%dma_start3A_70 : memref<128xi32, #tpu.memory_space<vmem>>) semaphore(%arg13 : memref<!tpu.dma_semaphore, #tpu.memory_space<semaphore_mem>>)
      } else {
      }
    }
    %scan3A_31 = arith.constant 40 : i32
    %barrier3A_32 = arith.constant 0 : index
    tpu.barrier barrier_id(%barrier3A_32)
    %mul3A_33 = arith.constant 640 : i32
    %mul3A_34 = arith.muli %arg1, %mul3A_33 : i32
    %mul3A_35 = arith.constant 640 : i32
    %mul3A_36 = arith.muli %arg1, %mul3A_35 : i32
    "tpu.region"() ({
      %run_scoped3A_37 = tpu.sem_alloc : memref<!tpu.dma_semaphore, #tpu.memory_space<semaphore_mem>>
      %dma_start3A_38 = arith.constant 0 : i32
      %dma_start3A_39 = tpu.memref_slice %arg5[%arg0, %mul3A_36, %dma_start3A_38] : memref<2x10240x128xf32, #tpu.memory_space<hbm>> -> memref<1x640x64xf32, #tpu.memory_space<hbm>>
      %dma_start3A_40 = tpu.memref_squeeze %dma_start3A_39 : memref<1x640x64xf32, #tpu.memory_space<hbm>> -> memref<640x64xf32, #tpu.memory_space<hbm>>
      %dma_start3A_41 = arith.constant 0 : i32
      %dma_start3A_42 = tpu.memref_slice %arg10[%mul3A_34, %dma_start3A_41] : memref<10240x64xf32, #tpu.memory_space<vmem_shared>> -> memref<640x64xf32, #tpu.memory_space<vmem_shared>>
      tpu.enqueue_dma source(%dma_start3A_42 : memref<640x64xf32, #tpu.memory_space<vmem_shared>>) target(%dma_start3A_40 : memref<640x64xf32, #tpu.memory_space<hbm>>) target_semaphore(%run_scoped3A_37 : memref<!tpu.dma_semaphore, #tpu.memory_space<semaphore_mem>>)
      %dma_wait3A = arith.constant 0 : i32
      %dma_wait3A_43 = tpu.memref_slice %arg5[%arg0, %mul3A_36, %dma_wait3A] : memref<2x10240x128xf32, #tpu.memory_space<hbm>> -> memref<1x640x64xf32, #tpu.memory_space<hbm>>
      %dma_wait3A_44 = tpu.memref_squeeze %dma_wait3A_43 : memref<1x640x64xf32, #tpu.memory_space<hbm>> -> memref<640x64xf32, #tpu.memory_space<hbm>>
      %dma_wait3A_45 = arith.constant 0 : i32
      %dma_wait3A_46 = tpu.memref_slice %arg10[%mul3A_34, %dma_wait3A_45] : memref<10240x64xf32, #tpu.memory_space<vmem_shared>> -> memref<640x64xf32, #tpu.memory_space<vmem_shared>>
      tpu.wait_dma2 semaphore(%run_scoped3A_37 : memref<!tpu.dma_semaphore, #tpu.memory_space<semaphore_mem>>) src(%dma_wait3A_46 : memref<640x64xf32, #tpu.memory_space<vmem_shared>>) dst(%dma_wait3A_44 : memref<640x64xf32, #tpu.memory_space<hbm>>)
      tpu.yield
    }) : () -> ()
    return
  }
}

#map = affine_map<(d0, d1) -> (0, 0, 0)>
#map1 = affine_map<(d0, d1) -> (0, 0)>
module attributes {stable_mosaic.version = 14 : i64} {
  func.func @deg_kernel(%arg0: i32, %arg1: i32, %arg2: memref<2x2560x128xi32, #tpu.memory_space<hbm>>, %arg3: memref<10240x8xf32, #tpu.memory_space<hbm>>, %arg4: memref<128x8xf32, #tpu.memory_space<hbm>>, %arg5: memref<2x10240x8xf32, #tpu.memory_space<hbm>>, %arg6: memref<80x128xi32, #tpu.memory_space<vmem>>, %arg7: memref<128x8xf32, #tpu.memory_space<vmem>>, %arg8: memref<10240x8xf32, #tpu.memory_space<vmem_shared>>) attributes {dimension_semantics = [#tpu.dimension_semantics<core_parallel>, #tpu.dimension_semantics<subcore_parallel>], iteration_bounds = array<i64: 2, 16>, scalar_prefetch = 0 : i64, scratch_operands = 3 : i64, tpu.core_type = #tpu.core_type<sc_vector_subcore>, window_params = [{transform_indices = #map}, {transform_indices = #map1}, {transform_indices = #map1}, {transform_indices = #map}]} {
    %mul3A = arith.constant 16 : i32
    %mul3A_0 = arith.muli %arg0, %mul3A : i32
    %add3A = arith.addi %mul3A_0, %arg1 : i32
    %mul3A_1 = arith.constant 640 : i32
    %mul3A_2 = arith.muli %arg1, %mul3A_1 : i32
    %mul3A_3 = arith.constant 640 : i32
    %mul3A_4 = arith.muli %arg1, %mul3A_3 : i32
    "tpu.region"() ({
      %run_scoped3A_17 = tpu.sem_alloc : memref<!tpu.dma_semaphore, #tpu.memory_space<semaphore_mem>>
      %dma_start3A = arith.constant 0 : i32
      %dma_start3A_18 = tpu.memref_slice %arg8[%mul3A_4, %dma_start3A] : memref<10240x8xf32, #tpu.memory_space<vmem_shared>> -> memref<640x8xf32, #tpu.memory_space<vmem_shared>>
      %dma_start3A_19 = arith.constant 0 : i32
      %dma_start3A_20 = tpu.memref_slice %arg3[%mul3A_2, %dma_start3A_19] : memref<10240x8xf32, #tpu.memory_space<hbm>> -> memref<640x8xf32, #tpu.memory_space<hbm>>
      tpu.enqueue_dma source(%dma_start3A_20 : memref<640x8xf32, #tpu.memory_space<hbm>>) target(%dma_start3A_18 : memref<640x8xf32, #tpu.memory_space<vmem_shared>>) target_semaphore(%run_scoped3A_17 : memref<!tpu.dma_semaphore, #tpu.memory_space<semaphore_mem>>)
      %dma_wait3A = arith.constant 0 : i32
      %dma_wait3A_21 = tpu.memref_slice %arg8[%mul3A_4, %dma_wait3A] : memref<10240x8xf32, #tpu.memory_space<vmem_shared>> -> memref<640x8xf32, #tpu.memory_space<vmem_shared>>
      %dma_wait3A_22 = arith.constant 0 : i32
      %dma_wait3A_23 = tpu.memref_slice %arg3[%mul3A_2, %dma_wait3A_22] : memref<10240x8xf32, #tpu.memory_space<hbm>> -> memref<640x8xf32, #tpu.memory_space<hbm>>
      tpu.wait_dma2 semaphore(%run_scoped3A_17 : memref<!tpu.dma_semaphore, #tpu.memory_space<semaphore_mem>>) src(%dma_wait3A_23 : memref<640x8xf32, #tpu.memory_space<hbm>>) dst(%dma_wait3A_21 : memref<640x8xf32, #tpu.memory_space<vmem_shared>>)
      tpu.yield
    }) : () -> ()
    "tpu.region"() ({
      %run_scoped3A_17 = tpu.sem_alloc : memref<!tpu.dma_semaphore, #tpu.memory_space<semaphore_mem>>
      tpu.enqueue_dma source(%arg4 : memref<128x8xf32, #tpu.memory_space<hbm>>) target(%arg7 : memref<128x8xf32, #tpu.memory_space<vmem>>) target_semaphore(%run_scoped3A_17 : memref<!tpu.dma_semaphore, #tpu.memory_space<semaphore_mem>>)
      tpu.wait_dma2 semaphore(%run_scoped3A_17 : memref<!tpu.dma_semaphore, #tpu.memory_space<semaphore_mem>>) src(%arg4 : memref<128x8xf32, #tpu.memory_space<hbm>>) dst(%arg7 : memref<128x8xf32, #tpu.memory_space<vmem>>)
      tpu.yield
    }) : () -> ()
    %mul3A_5 = arith.constant 80 : i32
    %mul3A_6 = arith.muli %add3A, %mul3A_5 : i32
    %run_scoped3A = arith.constant 1 : i32
    "tpu.region"() ({
      %run_scoped3A_17 = tpu.sem_alloc : memref<!tpu.dma_semaphore, #tpu.memory_space<semaphore_mem>>
      %dma_start3A = arith.constant 0 : i32
      %dma_start3A_18 = tpu.memref_slice %arg2[%run_scoped3A, %mul3A_6, %dma_start3A] : memref<2x2560x128xi32, #tpu.memory_space<hbm>> -> memref<1x80x128xi32, #tpu.memory_space<hbm>>
      %dma_start3A_19 = tpu.memref_squeeze %dma_start3A_18 : memref<1x80x128xi32, #tpu.memory_space<hbm>> -> memref<80x128xi32, #tpu.memory_space<hbm>>
      %dma_start3A_20 = arith.constant 0 : i32
      %dma_start3A_21 = tpu.memref_slice %arg2[%run_scoped3A, %mul3A_6, %dma_start3A_20] : memref<2x2560x128xi32, #tpu.memory_space<hbm>> -> memref<1x80x128xi32, #tpu.memory_space<hbm>>
      %dma_start3A_22 = tpu.memref_squeeze %dma_start3A_21 : memref<1x80x128xi32, #tpu.memory_space<hbm>> -> memref<80x128xi32, #tpu.memory_space<hbm>>
      tpu.enqueue_dma source(%dma_start3A_22 : memref<80x128xi32, #tpu.memory_space<hbm>>) target(%arg6 : memref<80x128xi32, #tpu.memory_space<vmem>>) target_semaphore(%run_scoped3A_17 : memref<!tpu.dma_semaphore, #tpu.memory_space<semaphore_mem>>)
      %dma_wait3A = arith.constant 0 : i32
      %dma_wait3A_23 = tpu.memref_slice %arg2[%run_scoped3A, %mul3A_6, %dma_wait3A] : memref<2x2560x128xi32, #tpu.memory_space<hbm>> -> memref<1x80x128xi32, #tpu.memory_space<hbm>>
      %dma_wait3A_24 = tpu.memref_squeeze %dma_wait3A_23 : memref<1x80x128xi32, #tpu.memory_space<hbm>> -> memref<80x128xi32, #tpu.memory_space<hbm>>
      %dma_wait3A_25 = arith.constant 0 : i32
      %dma_wait3A_26 = tpu.memref_slice %arg2[%run_scoped3A, %mul3A_6, %dma_wait3A_25] : memref<2x2560x128xi32, #tpu.memory_space<hbm>> -> memref<1x80x128xi32, #tpu.memory_space<hbm>>
      %dma_wait3A_27 = tpu.memref_squeeze %dma_wait3A_26 : memref<1x80x128xi32, #tpu.memory_space<hbm>> -> memref<80x128xi32, #tpu.memory_space<hbm>>
      tpu.wait_dma2 semaphore(%run_scoped3A_17 : memref<!tpu.dma_semaphore, #tpu.memory_space<semaphore_mem>>) src(%dma_wait3A_27 : memref<80x128xi32, #tpu.memory_space<hbm>>) dst(%arg6 : memref<80x128xi32, #tpu.memory_space<vmem>>)
      tpu.yield
    }) : () -> ()
    %barrier3A = arith.constant 0 : index
    tpu.barrier barrier_id(%barrier3A)
    %scan3A = arith.constant 0 : i32
    %scan3A_7 = arith.constant 0 : i32
    %scan3A_8 = arith.constant 80 : i32
    %scan3A_9 = arith.addi %scan3A_7, %scan3A_8 : i32
    %scan3A_10 = arith.constant 1 : i32
    scf.for %scan3A_17 = %scan3A_7 to %scan3A_9 step %scan3A_10  : i32 {
      "tpu.region"() ({
        %run_scoped3A_18 = tpu.sem_alloc : memref<!tpu.dma_semaphore, #tpu.memory_space<semaphore_mem>>
        %dma_start3A = arith.constant 0 : i32
        %dma_start3A_19 = tpu.memref_slice %arg6[%scan3A_17, %dma_start3A] : memref<80x128xi32, #tpu.memory_space<vmem>> -> memref<1x128xi32, #tpu.memory_space<vmem>>
        %dma_start3A_20 = tpu.memref_squeeze %dma_start3A_19 : memref<1x128xi32, #tpu.memory_space<vmem>> -> memref<128xi32, #tpu.memory_space<vmem>>
        %dma_start3A_21 = arith.constant 0 : i32
        %dma_start3A_22 = arith.constant 0 : i32
        %dma_start3A_23 = tpu.memref_slice %arg8[%dma_start3A_21, %dma_start3A_22] : memref<10240x8xf32, #tpu.memory_space<vmem_shared>> -> memref<10240x8xf32, #tpu.memory_space<vmem_shared>>
        tpu.enqueue_indirect_dma source(%arg7 : memref<128x8xf32, #tpu.memory_space<vmem>>) target(%dma_start3A_23 : memref<10240x8xf32, #tpu.memory_space<vmem_shared>>) offsets(%dma_start3A_20 : memref<128xi32, #tpu.memory_space<vmem>>) semaphore(%run_scoped3A_18 : memref<!tpu.dma_semaphore, #tpu.memory_space<semaphore_mem>>) {add = true}
        %dma_wait3A = arith.constant 0 : i32
        %dma_wait3A_24 = tpu.memref_slice %arg6[%scan3A_17, %dma_wait3A] : memref<80x128xi32, #tpu.memory_space<vmem>> -> memref<1x128xi32, #tpu.memory_space<vmem>>
        %dma_wait3A_25 = tpu.memref_squeeze %dma_wait3A_24 : memref<1x128xi32, #tpu.memory_space<vmem>> -> memref<128xi32, #tpu.memory_space<vmem>>
        %dma_wait3A_26 = arith.constant 0 : i32
        %dma_wait3A_27 = arith.constant 0 : i32
        %dma_wait3A_28 = tpu.memref_slice %arg8[%dma_wait3A_26, %dma_wait3A_27] : memref<10240x8xf32, #tpu.memory_space<vmem_shared>> -> memref<10240x8xf32, #tpu.memory_space<vmem_shared>>
        tpu.wait_indirect_dma semaphore(%run_scoped3A_18 : memref<!tpu.dma_semaphore, #tpu.memory_space<semaphore_mem>>) src(%arg7 : memref<128x8xf32, #tpu.memory_space<vmem>>) dst(%dma_wait3A_28 : memref<10240x8xf32, #tpu.memory_space<vmem_shared>>)
        tpu.yield
      }) : () -> ()
    }
    %scan3A_11 = arith.constant 80 : i32
    %barrier3A_12 = arith.constant 0 : index
    tpu.barrier barrier_id(%barrier3A_12)
    %mul3A_13 = arith.constant 640 : i32
    %mul3A_14 = arith.muli %arg1, %mul3A_13 : i32
    %mul3A_15 = arith.constant 640 : i32
    %mul3A_16 = arith.muli %arg1, %mul3A_15 : i32
    "tpu.region"() ({
      %run_scoped3A_17 = tpu.sem_alloc : memref<!tpu.dma_semaphore, #tpu.memory_space<semaphore_mem>>
      %dma_start3A = arith.constant 0 : i32
      %dma_start3A_18 = tpu.memref_slice %arg5[%arg0, %mul3A_16, %dma_start3A] : memref<2x10240x8xf32, #tpu.memory_space<hbm>> -> memref<1x640x8xf32, #tpu.memory_space<hbm>>
      %dma_start3A_19 = tpu.memref_squeeze %dma_start3A_18 : memref<1x640x8xf32, #tpu.memory_space<hbm>> -> memref<640x8xf32, #tpu.memory_space<hbm>>
      %dma_start3A_20 = arith.constant 0 : i32
      %dma_start3A_21 = tpu.memref_slice %arg8[%mul3A_14, %dma_start3A_20] : memref<10240x8xf32, #tpu.memory_space<vmem_shared>> -> memref<640x8xf32, #tpu.memory_space<vmem_shared>>
      tpu.enqueue_dma source(%dma_start3A_21 : memref<640x8xf32, #tpu.memory_space<vmem_shared>>) target(%dma_start3A_19 : memref<640x8xf32, #tpu.memory_space<hbm>>) target_semaphore(%run_scoped3A_17 : memref<!tpu.dma_semaphore, #tpu.memory_space<semaphore_mem>>)
      %dma_wait3A = arith.constant 0 : i32
      %dma_wait3A_22 = tpu.memref_slice %arg5[%arg0, %mul3A_16, %dma_wait3A] : memref<2x10240x8xf32, #tpu.memory_space<hbm>> -> memref<1x640x8xf32, #tpu.memory_space<hbm>>
      %dma_wait3A_23 = tpu.memref_squeeze %dma_wait3A_22 : memref<1x640x8xf32, #tpu.memory_space<hbm>> -> memref<640x8xf32, #tpu.memory_space<hbm>>
      %dma_wait3A_24 = arith.constant 0 : i32
      %dma_wait3A_25 = tpu.memref_slice %arg8[%mul3A_14, %dma_wait3A_24] : memref<10240x8xf32, #tpu.memory_space<vmem_shared>> -> memref<640x8xf32, #tpu.memory_space<vmem_shared>>
      tpu.wait_dma2 semaphore(%run_scoped3A_17 : memref<!tpu.dma_semaphore, #tpu.memory_space<semaphore_mem>>) src(%dma_wait3A_25 : memref<640x8xf32, #tpu.memory_space<vmem_shared>>) dst(%dma_wait3A_23 : memref<640x8xf32, #tpu.memory_space<hbm>>)
      tpu.yield
    }) : () -> ()
    return
  }
}

#map = affine_map<(d0, d1) -> (0, 0)>
#map1 = affine_map<(d0, d1) -> (0, 0, 0)>
module attributes {stable_mosaic.version = 14 : i64} {
  func.func @agg_kernel(%arg0: i32, %arg1: i32, %arg2: memref<10240x128xf32, #tpu.memory_space<hbm>>, %arg3: memref<2x2560x128xi32, #tpu.memory_space<hbm>>, %arg4: memref<10240x64xf32, #tpu.memory_space<hbm>>, %arg5: memref<2x10240x128xf32, #tpu.memory_space<hbm>>, %arg6: memref<80x128xi32, #tpu.memory_space<vmem>>, %arg7: memref<80x128xi32, #tpu.memory_space<vmem>>, %arg8: memref<128x64xf32, #tpu.memory_space<vmem>>, %arg9: memref<128x64xf32, #tpu.memory_space<vmem>>, %arg10: memref<10240x64xf32, #tpu.memory_space<vmem_shared>>, %arg11: memref<10240x64xf32, #tpu.memory_space<vmem_shared>>, %arg12: memref<!tpu.dma_semaphore, #tpu.memory_space<semaphore_mem>>, %arg13: memref<!tpu.dma_semaphore, #tpu.memory_space<semaphore_mem>>) attributes {dimension_semantics = [#tpu.dimension_semantics<core_parallel>, #tpu.dimension_semantics<subcore_parallel>], iteration_bounds = array<i64: 2, 16>, scalar_prefetch = 0 : i64, scratch_operands = 8 : i64, tpu.core_type = #tpu.core_type<sc_vector_subcore>, window_params = [{transform_indices = #map}, {transform_indices = #map1}, {transform_indices = #map}, {transform_indices = #map1}]} {
    %mul3A = arith.constant 16 : i32
    %mul3A_0 = arith.muli %arg0, %mul3A : i32
    %add3A = arith.addi %mul3A_0, %arg1 : i32
    %mul3A_1 = arith.constant 640 : i32
    %mul3A_2 = arith.muli %arg1, %mul3A_1 : i32
    %mul3A_3 = arith.constant 640 : i32
    %mul3A_4 = arith.muli %arg1, %mul3A_3 : i32
    "tpu.region"() ({
      %run_scoped3A_37 = tpu.sem_alloc : memref<!tpu.dma_semaphore, #tpu.memory_space<semaphore_mem>>
      %dma_start3A_38 = arith.constant 0 : i32
      %dma_start3A_39 = tpu.memref_slice %arg10[%mul3A_4, %dma_start3A_38] : memref<10240x64xf32, #tpu.memory_space<vmem_shared>> -> memref<640x64xf32, #tpu.memory_space<vmem_shared>>
      %dma_start3A_40 = arith.constant 0 : i32
      %dma_start3A_41 = tpu.memref_slice %arg4[%mul3A_2, %dma_start3A_40] : memref<10240x64xf32, #tpu.memory_space<hbm>> -> memref<640x64xf32, #tpu.memory_space<hbm>>
      tpu.enqueue_dma source(%dma_start3A_41 : memref<640x64xf32, #tpu.memory_space<hbm>>) target(%dma_start3A_39 : memref<640x64xf32, #tpu.memory_space<vmem_shared>>) target_semaphore(%run_scoped3A_37 : memref<!tpu.dma_semaphore, #tpu.memory_space<semaphore_mem>>)
      %dma_wait3A = arith.constant 0 : i32
      %dma_wait3A_42 = tpu.memref_slice %arg10[%mul3A_4, %dma_wait3A] : memref<10240x64xf32, #tpu.memory_space<vmem_shared>> -> memref<640x64xf32, #tpu.memory_space<vmem_shared>>
      %dma_wait3A_43 = arith.constant 0 : i32
      %dma_wait3A_44 = tpu.memref_slice %arg4[%mul3A_2, %dma_wait3A_43] : memref<10240x64xf32, #tpu.memory_space<hbm>> -> memref<640x64xf32, #tpu.memory_space<hbm>>
      tpu.wait_dma2 semaphore(%run_scoped3A_37 : memref<!tpu.dma_semaphore, #tpu.memory_space<semaphore_mem>>) src(%dma_wait3A_44 : memref<640x64xf32, #tpu.memory_space<hbm>>) dst(%dma_wait3A_42 : memref<640x64xf32, #tpu.memory_space<vmem_shared>>)
      tpu.yield
    }) : () -> ()
    %mul3A_5 = arith.constant 640 : i32
    %mul3A_6 = arith.muli %arg1, %mul3A_5 : i32
    %mul3A_7 = arith.constant 640 : i32
    %mul3A_8 = arith.muli %arg1, %mul3A_7 : i32
    "tpu.region"() ({
      %run_scoped3A_37 = tpu.sem_alloc : memref<!tpu.dma_semaphore, #tpu.memory_space<semaphore_mem>>
      %dma_start3A_38 = arith.constant 0 : i32
      %dma_start3A_39 = tpu.memref_slice %arg11[%mul3A_8, %dma_start3A_38] : memref<10240x64xf32, #tpu.memory_space<vmem_shared>> -> memref<640x64xf32, #tpu.memory_space<vmem_shared>>
      %dma_start3A_40 = arith.constant 0 : i32
      %dma_start3A_41 = tpu.memref_slice %arg2[%mul3A_6, %dma_start3A_40] : memref<10240x128xf32, #tpu.memory_space<hbm>> -> memref<640x64xf32, #tpu.memory_space<hbm>>
      tpu.enqueue_dma source(%dma_start3A_41 : memref<640x64xf32, #tpu.memory_space<hbm>>) target(%dma_start3A_39 : memref<640x64xf32, #tpu.memory_space<vmem_shared>>) target_semaphore(%run_scoped3A_37 : memref<!tpu.dma_semaphore, #tpu.memory_space<semaphore_mem>>)
      %dma_wait3A = arith.constant 0 : i32
      %dma_wait3A_42 = tpu.memref_slice %arg11[%mul3A_8, %dma_wait3A] : memref<10240x64xf32, #tpu.memory_space<vmem_shared>> -> memref<640x64xf32, #tpu.memory_space<vmem_shared>>
      %dma_wait3A_43 = arith.constant 0 : i32
      %dma_wait3A_44 = tpu.memref_slice %arg2[%mul3A_6, %dma_wait3A_43] : memref<10240x128xf32, #tpu.memory_space<hbm>> -> memref<640x64xf32, #tpu.memory_space<hbm>>
      tpu.wait_dma2 semaphore(%run_scoped3A_37 : memref<!tpu.dma_semaphore, #tpu.memory_space<semaphore_mem>>) src(%dma_wait3A_44 : memref<640x64xf32, #tpu.memory_space<hbm>>) dst(%dma_wait3A_42 : memref<640x64xf32, #tpu.memory_space<vmem_shared>>)
      tpu.yield
    }) : () -> ()
    %mul3A_9 = arith.constant 80 : i32
    %mul3A_10 = arith.muli %add3A, %mul3A_9 : i32
    %run_scoped3A = arith.constant 0 : i32
    "tpu.region"() ({
      %run_scoped3A_37 = tpu.sem_alloc : memref<!tpu.dma_semaphore, #tpu.memory_space<semaphore_mem>>
      %dma_start3A_38 = arith.constant 0 : i32
      %dma_start3A_39 = tpu.memref_slice %arg3[%run_scoped3A, %mul3A_10, %dma_start3A_38] : memref<2x2560x128xi32, #tpu.memory_space<hbm>> -> memref<1x80x128xi32, #tpu.memory_space<hbm>>
      %dma_start3A_40 = tpu.memref_squeeze %dma_start3A_39 : memref<1x80x128xi32, #tpu.memory_space<hbm>> -> memref<80x128xi32, #tpu.memory_space<hbm>>
      %dma_start3A_41 = arith.constant 0 : i32
      %dma_start3A_42 = tpu.memref_slice %arg3[%run_scoped3A, %mul3A_10, %dma_start3A_41] : memref<2x2560x128xi32, #tpu.memory_space<hbm>> -> memref<1x80x128xi32, #tpu.memory_space<hbm>>
      %dma_start3A_43 = tpu.memref_squeeze %dma_start3A_42 : memref<1x80x128xi32, #tpu.memory_space<hbm>> -> memref<80x128xi32, #tpu.memory_space<hbm>>
      tpu.enqueue_dma source(%dma_start3A_43 : memref<80x128xi32, #tpu.memory_space<hbm>>) target(%arg6 : memref<80x128xi32, #tpu.memory_space<vmem>>) target_semaphore(%run_scoped3A_37 : memref<!tpu.dma_semaphore, #tpu.memory_space<semaphore_mem>>)
      %dma_wait3A = arith.constant 0 : i32
      %dma_wait3A_44 = tpu.memref_slice %arg3[%run_scoped3A, %mul3A_10, %dma_wait3A] : memref<2x2560x128xi32, #tpu.memory_space<hbm>> -> memref<1x80x128xi32, #tpu.memory_space<hbm>>
      %dma_wait3A_45 = tpu.memref_squeeze %dma_wait3A_44 : memref<1x80x128xi32, #tpu.memory_space<hbm>> -> memref<80x128xi32, #tpu.memory_space<hbm>>
      %dma_wait3A_46 = arith.constant 0 : i32
      %dma_wait3A_47 = tpu.memref_slice %arg3[%run_scoped3A, %mul3A_10, %dma_wait3A_46] : memref<2x2560x128xi32, #tpu.memory_space<hbm>> -> memref<1x80x128xi32, #tpu.memory_space<hbm>>
      %dma_wait3A_48 = tpu.memref_squeeze %dma_wait3A_47 : memref<1x80x128xi32, #tpu.memory_space<hbm>> -> memref<80x128xi32, #tpu.memory_space<hbm>>
      tpu.wait_dma2 semaphore(%run_scoped3A_37 : memref<!tpu.dma_semaphore, #tpu.memory_space<semaphore_mem>>) src(%dma_wait3A_48 : memref<80x128xi32, #tpu.memory_space<hbm>>) dst(%arg6 : memref<80x128xi32, #tpu.memory_space<vmem>>)
      tpu.yield
    }) : () -> ()
    %mul3A_11 = arith.constant 80 : i32
    %mul3A_12 = arith.muli %add3A, %mul3A_11 : i32
    %run_scoped3A_13 = arith.constant 1 : i32
    "tpu.region"() ({
      %run_scoped3A_37 = tpu.sem_alloc : memref<!tpu.dma_semaphore, #tpu.memory_space<semaphore_mem>>
      %dma_start3A_38 = arith.constant 0 : i32
      %dma_start3A_39 = tpu.memref_slice %arg3[%run_scoped3A_13, %mul3A_12, %dma_start3A_38] : memref<2x2560x128xi32, #tpu.memory_space<hbm>> -> memref<1x80x128xi32, #tpu.memory_space<hbm>>
      %dma_start3A_40 = tpu.memref_squeeze %dma_start3A_39 : memref<1x80x128xi32, #tpu.memory_space<hbm>> -> memref<80x128xi32, #tpu.memory_space<hbm>>
      %dma_start3A_41 = arith.constant 0 : i32
      %dma_start3A_42 = tpu.memref_slice %arg3[%run_scoped3A_13, %mul3A_12, %dma_start3A_41] : memref<2x2560x128xi32, #tpu.memory_space<hbm>> -> memref<1x80x128xi32, #tpu.memory_space<hbm>>
      %dma_start3A_43 = tpu.memref_squeeze %dma_start3A_42 : memref<1x80x128xi32, #tpu.memory_space<hbm>> -> memref<80x128xi32, #tpu.memory_space<hbm>>
      tpu.enqueue_dma source(%dma_start3A_43 : memref<80x128xi32, #tpu.memory_space<hbm>>) target(%arg7 : memref<80x128xi32, #tpu.memory_space<vmem>>) target_semaphore(%run_scoped3A_37 : memref<!tpu.dma_semaphore, #tpu.memory_space<semaphore_mem>>)
      %dma_wait3A = arith.constant 0 : i32
      %dma_wait3A_44 = tpu.memref_slice %arg3[%run_scoped3A_13, %mul3A_12, %dma_wait3A] : memref<2x2560x128xi32, #tpu.memory_space<hbm>> -> memref<1x80x128xi32, #tpu.memory_space<hbm>>
      %dma_wait3A_45 = tpu.memref_squeeze %dma_wait3A_44 : memref<1x80x128xi32, #tpu.memory_space<hbm>> -> memref<80x128xi32, #tpu.memory_space<hbm>>
      %dma_wait3A_46 = arith.constant 0 : i32
      %dma_wait3A_47 = tpu.memref_slice %arg3[%run_scoped3A_13, %mul3A_12, %dma_wait3A_46] : memref<2x2560x128xi32, #tpu.memory_space<hbm>> -> memref<1x80x128xi32, #tpu.memory_space<hbm>>
      %dma_wait3A_48 = tpu.memref_squeeze %dma_wait3A_47 : memref<1x80x128xi32, #tpu.memory_space<hbm>> -> memref<80x128xi32, #tpu.memory_space<hbm>>
      tpu.wait_dma2 semaphore(%run_scoped3A_37 : memref<!tpu.dma_semaphore, #tpu.memory_space<semaphore_mem>>) src(%dma_wait3A_48 : memref<80x128xi32, #tpu.memory_space<hbm>>) dst(%arg7 : memref<80x128xi32, #tpu.memory_space<vmem>>)
      tpu.yield
    }) : () -> ()
    %barrier3A = arith.constant 0 : index
    tpu.barrier barrier_id(%barrier3A)
    %dma_start3A = arith.constant 0 : i32
    %dma_start3A_14 = arith.constant 0 : i32
    %dma_start3A_15 = tpu.memref_slice %arg6[%dma_start3A, %dma_start3A_14] : memref<80x128xi32, #tpu.memory_space<vmem>> -> memref<1x128xi32, #tpu.memory_space<vmem>>
    %dma_start3A_16 = tpu.memref_squeeze %dma_start3A_15 : memref<1x128xi32, #tpu.memory_space<vmem>> -> memref<128xi32, #tpu.memory_space<vmem>>
    %dma_start3A_17 = arith.constant 0 : i32
    %dma_start3A_18 = arith.constant 0 : i32
    %dma_start3A_19 = tpu.memref_slice %arg11[%dma_start3A_17, %dma_start3A_18] : memref<10240x64xf32, #tpu.memory_space<vmem_shared>> -> memref<10240x64xf32, #tpu.memory_space<vmem_shared>>
    tpu.enqueue_indirect_dma source(%dma_start3A_19 : memref<10240x64xf32, #tpu.memory_space<vmem_shared>>) target(%arg8 : memref<128x64xf32, #tpu.memory_space<vmem>>) offsets(%dma_start3A_16 : memref<128xi32, #tpu.memory_space<vmem>>) semaphore(%arg12 : memref<!tpu.dma_semaphore, #tpu.memory_space<semaphore_mem>>)
    %dma_start3A_20 = arith.constant 1 : i32
    %dma_start3A_21 = arith.constant 0 : i32
    %dma_start3A_22 = tpu.memref_slice %arg6[%dma_start3A_20, %dma_start3A_21] : memref<80x128xi32, #tpu.memory_space<vmem>> -> memref<1x128xi32, #tpu.memory_space<vmem>>
    %dma_start3A_23 = tpu.memref_squeeze %dma_start3A_22 : memref<1x128xi32, #tpu.memory_space<vmem>> -> memref<128xi32, #tpu.memory_space<vmem>>
    %dma_start3A_24 = arith.constant 0 : i32
    %dma_start3A_25 = arith.constant 0 : i32
    %dma_start3A_26 = tpu.memref_slice %arg11[%dma_start3A_24, %dma_start3A_25] : memref<10240x64xf32, #tpu.memory_space<vmem_shared>> -> memref<10240x64xf32, #tpu.memory_space<vmem_shared>>
    tpu.enqueue_indirect_dma source(%dma_start3A_26 : memref<10240x64xf32, #tpu.memory_space<vmem_shared>>) target(%arg9 : memref<128x64xf32, #tpu.memory_space<vmem>>) offsets(%dma_start3A_23 : memref<128xi32, #tpu.memory_space<vmem>>) semaphore(%arg13 : memref<!tpu.dma_semaphore, #tpu.memory_space<semaphore_mem>>)
    %scan3A = arith.constant 0 : i32
    %scan3A_27 = arith.constant 0 : i32
    %scan3A_28 = arith.constant 40 : i32
    %scan3A_29 = arith.addi %scan3A_27, %scan3A_28 : i32
    %scan3A_30 = arith.constant 1 : i32
    scf.for %scan3A_37 = %scan3A_27 to %scan3A_29 step %scan3A_30  : i32 {
      %mul3A_38 = arith.constant 2 : i32
      %mul3A_39 = arith.muli %mul3A_38, %scan3A_37 : i32
      %mul3A_40 = arith.constant 2 : i32
      %mul3A_41 = arith.muli %mul3A_40, %scan3A_37 : i32
      %add3A_42 = arith.constant 1 : i32
      %add3A_43 = arith.addi %mul3A_41, %add3A_42 : i32
      %dma_wait3A = arith.constant 0 : i32
      %dma_wait3A_44 = tpu.memref_slice %arg6[%mul3A_39, %dma_wait3A] : memref<80x128xi32, #tpu.memory_space<vmem>> -> memref<1x128xi32, #tpu.memory_space<vmem>>
      %dma_wait3A_45 = tpu.memref_squeeze %dma_wait3A_44 : memref<1x128xi32, #tpu.memory_space<vmem>> -> memref<128xi32, #tpu.memory_space<vmem>>
      %dma_wait3A_46 = arith.constant 0 : i32
      %dma_wait3A_47 = arith.constant 0 : i32
      %dma_wait3A_48 = tpu.memref_slice %arg11[%dma_wait3A_46, %dma_wait3A_47] : memref<10240x64xf32, #tpu.memory_space<vmem_shared>> -> memref<10240x64xf32, #tpu.memory_space<vmem_shared>>
      tpu.wait_indirect_dma semaphore(%arg12 : memref<!tpu.dma_semaphore, #tpu.memory_space<semaphore_mem>>) src(%dma_wait3A_48 : memref<10240x64xf32, #tpu.memory_space<vmem_shared>>) dst(%arg8 : memref<128x64xf32, #tpu.memory_space<vmem>>)
      "tpu.region"() ({
        %run_scoped3A_66 = tpu.sem_alloc : memref<!tpu.dma_semaphore, #tpu.memory_space<semaphore_mem>>
        %dma_start3A_67 = arith.constant 0 : i32
        %dma_start3A_68 = tpu.memref_slice %arg7[%mul3A_39, %dma_start3A_67] : memref<80x128xi32, #tpu.memory_space<vmem>> -> memref<1x128xi32, #tpu.memory_space<vmem>>
        %dma_start3A_69 = tpu.memref_squeeze %dma_start3A_68 : memref<1x128xi32, #tpu.memory_space<vmem>> -> memref<128xi32, #tpu.memory_space<vmem>>
        %dma_start3A_70 = arith.constant 0 : i32
        %dma_start3A_71 = arith.constant 0 : i32
        %dma_start3A_72 = tpu.memref_slice %arg10[%dma_start3A_70, %dma_start3A_71] : memref<10240x64xf32, #tpu.memory_space<vmem_shared>> -> memref<10240x64xf32, #tpu.memory_space<vmem_shared>>
        tpu.enqueue_indirect_dma source(%arg8 : memref<128x64xf32, #tpu.memory_space<vmem>>) target(%dma_start3A_72 : memref<10240x64xf32, #tpu.memory_space<vmem_shared>>) offsets(%dma_start3A_69 : memref<128xi32, #tpu.memory_space<vmem>>) semaphore(%run_scoped3A_66 : memref<!tpu.dma_semaphore, #tpu.memory_space<semaphore_mem>>) {add = true}
        %dma_wait3A_73 = arith.constant 0 : i32
        %dma_wait3A_74 = tpu.memref_slice %arg7[%mul3A_39, %dma_wait3A_73] : memref<80x128xi32, #tpu.memory_space<vmem>> -> memref<1x128xi32, #tpu.memory_space<vmem>>
        %dma_wait3A_75 = tpu.memref_squeeze %dma_wait3A_74 : memref<1x128xi32, #tpu.memory_space<vmem>> -> memref<128xi32, #tpu.memory_space<vmem>>
        %dma_wait3A_76 = arith.constant 0 : i32
        %dma_wait3A_77 = arith.constant 0 : i32
        %dma_wait3A_78 = tpu.memref_slice %arg10[%dma_wait3A_76, %dma_wait3A_77] : memref<10240x64xf32, #tpu.memory_space<vmem_shared>> -> memref<10240x64xf32, #tpu.memory_space<vmem_shared>>
        tpu.wait_indirect_dma semaphore(%run_scoped3A_66 : memref<!tpu.dma_semaphore, #tpu.memory_space<semaphore_mem>>) src(%arg8 : memref<128x64xf32, #tpu.memory_space<vmem>>) dst(%dma_wait3A_78 : memref<10240x64xf32, #tpu.memory_space<vmem_shared>>)
        tpu.yield
      }) : () -> ()
      %add3A_49 = arith.constant 2 : i32
      %add3A_50 = arith.addi %mul3A_39, %add3A_49 : i32
      %lt3A = arith.constant 80 : i32
      %lt3A_51 = arith.cmpi slt, %add3A_50, %lt3A : i32
      %convert_element_type3A = arith.extui %lt3A_51 : i1 to i32
      %cond3A = arith.constant 0 : i32
      %cond3A_52 = arith.cmpi ne, %convert_element_type3A, %cond3A : i32
      scf.if %cond3A_52 {
        %add3A_66 = arith.constant 2 : i32
        %add3A_67 = arith.addi %mul3A_39, %add3A_66 : i32
        %dma_start3A_68 = arith.constant 0 : i32
        %dma_start3A_69 = tpu.memref_slice %arg6[%add3A_67, %dma_start3A_68] : memref<80x128xi32, #tpu.memory_space<vmem>> -> memref<1x128xi32, #tpu.memory_space<vmem>>
        %dma_start3A_70 = tpu.memref_squeeze %dma_start3A_69 : memref<1x128xi32, #tpu.memory_space<vmem>> -> memref<128xi32, #tpu.memory_space<vmem>>
        %dma_start3A_71 = arith.constant 0 : i32
        %dma_start3A_72 = arith.constant 0 : i32
        %dma_start3A_73 = tpu.memref_slice %arg11[%dma_start3A_71, %dma_start3A_72] : memref<10240x64xf32, #tpu.memory_space<vmem_shared>> -> memref<10240x64xf32, #tpu.memory_space<vmem_shared>>
        tpu.enqueue_indirect_dma source(%dma_start3A_73 : memref<10240x64xf32, #tpu.memory_space<vmem_shared>>) target(%arg8 : memref<128x64xf32, #tpu.memory_space<vmem>>) offsets(%dma_start3A_70 : memref<128xi32, #tpu.memory_space<vmem>>) semaphore(%arg12 : memref<!tpu.dma_semaphore, #tpu.memory_space<semaphore_mem>>)
      } else {
      }
      %dma_wait3A_53 = arith.constant 0 : i32
      %dma_wait3A_54 = tpu.memref_slice %arg6[%add3A_43, %dma_wait3A_53] : memref<80x128xi32, #tpu.memory_space<vmem>> -> memref<1x128xi32, #tpu.memory_space<vmem>>
      %dma_wait3A_55 = tpu.memref_squeeze %dma_wait3A_54 : memref<1x128xi32, #tpu.memory_space<vmem>> -> memref<128xi32, #tpu.memory_space<vmem>>
      %dma_wait3A_56 = arith.constant 0 : i32
      %dma_wait3A_57 = arith.constant 0 : i32
      %dma_wait3A_58 = tpu.memref_slice %arg11[%dma_wait3A_56, %dma_wait3A_57] : memref<10240x64xf32, #tpu.memory_space<vmem_shared>> -> memref<10240x64xf32, #tpu.memory_space<vmem_shared>>
      tpu.wait_indirect_dma semaphore(%arg13 : memref<!tpu.dma_semaphore, #tpu.memory_space<semaphore_mem>>) src(%dma_wait3A_58 : memref<10240x64xf32, #tpu.memory_space<vmem_shared>>) dst(%arg9 : memref<128x64xf32, #tpu.memory_space<vmem>>)
      "tpu.region"() ({
        %run_scoped3A_66 = tpu.sem_alloc : memref<!tpu.dma_semaphore, #tpu.memory_space<semaphore_mem>>
        %dma_start3A_67 = arith.constant 0 : i32
        %dma_start3A_68 = tpu.memref_slice %arg7[%add3A_43, %dma_start3A_67] : memref<80x128xi32, #tpu.memory_space<vmem>> -> memref<1x128xi32, #tpu.memory_space<vmem>>
        %dma_start3A_69 = tpu.memref_squeeze %dma_start3A_68 : memref<1x128xi32, #tpu.memory_space<vmem>> -> memref<128xi32, #tpu.memory_space<vmem>>
        %dma_start3A_70 = arith.constant 0 : i32
        %dma_start3A_71 = arith.constant 0 : i32
        %dma_start3A_72 = tpu.memref_slice %arg10[%dma_start3A_70, %dma_start3A_71] : memref<10240x64xf32, #tpu.memory_space<vmem_shared>> -> memref<10240x64xf32, #tpu.memory_space<vmem_shared>>
        tpu.enqueue_indirect_dma source(%arg9 : memref<128x64xf32, #tpu.memory_space<vmem>>) target(%dma_start3A_72 : memref<10240x64xf32, #tpu.memory_space<vmem_shared>>) offsets(%dma_start3A_69 : memref<128xi32, #tpu.memory_space<vmem>>) semaphore(%run_scoped3A_66 : memref<!tpu.dma_semaphore, #tpu.memory_space<semaphore_mem>>) {add = true}
        %dma_wait3A_73 = arith.constant 0 : i32
        %dma_wait3A_74 = tpu.memref_slice %arg7[%add3A_43, %dma_wait3A_73] : memref<80x128xi32, #tpu.memory_space<vmem>> -> memref<1x128xi32, #tpu.memory_space<vmem>>
        %dma_wait3A_75 = tpu.memref_squeeze %dma_wait3A_74 : memref<1x128xi32, #tpu.memory_space<vmem>> -> memref<128xi32, #tpu.memory_space<vmem>>
        %dma_wait3A_76 = arith.constant 0 : i32
        %dma_wait3A_77 = arith.constant 0 : i32
        %dma_wait3A_78 = tpu.memref_slice %arg10[%dma_wait3A_76, %dma_wait3A_77] : memref<10240x64xf32, #tpu.memory_space<vmem_shared>> -> memref<10240x64xf32, #tpu.memory_space<vmem_shared>>
        tpu.wait_indirect_dma semaphore(%run_scoped3A_66 : memref<!tpu.dma_semaphore, #tpu.memory_space<semaphore_mem>>) src(%arg9 : memref<128x64xf32, #tpu.memory_space<vmem>>) dst(%dma_wait3A_78 : memref<10240x64xf32, #tpu.memory_space<vmem_shared>>)
        tpu.yield
      }) : () -> ()
      %add3A_59 = arith.constant 2 : i32
      %add3A_60 = arith.addi %add3A_43, %add3A_59 : i32
      %lt3A_61 = arith.constant 80 : i32
      %lt3A_62 = arith.cmpi slt, %add3A_60, %lt3A_61 : i32
      %convert_element_type3A_63 = arith.extui %lt3A_62 : i1 to i32
      %cond3A_64 = arith.constant 0 : i32
      %cond3A_65 = arith.cmpi ne, %convert_element_type3A_63, %cond3A_64 : i32
      scf.if %cond3A_65 {
        %add3A_66 = arith.constant 2 : i32
        %add3A_67 = arith.addi %add3A_43, %add3A_66 : i32
        %dma_start3A_68 = arith.constant 0 : i32
        %dma_start3A_69 = tpu.memref_slice %arg6[%add3A_67, %dma_start3A_68] : memref<80x128xi32, #tpu.memory_space<vmem>> -> memref<1x128xi32, #tpu.memory_space<vmem>>
        %dma_start3A_70 = tpu.memref_squeeze %dma_start3A_69 : memref<1x128xi32, #tpu.memory_space<vmem>> -> memref<128xi32, #tpu.memory_space<vmem>>
        %dma_start3A_71 = arith.constant 0 : i32
        %dma_start3A_72 = arith.constant 0 : i32
        %dma_start3A_73 = tpu.memref_slice %arg11[%dma_start3A_71, %dma_start3A_72] : memref<10240x64xf32, #tpu.memory_space<vmem_shared>> -> memref<10240x64xf32, #tpu.memory_space<vmem_shared>>
        tpu.enqueue_indirect_dma source(%dma_start3A_73 : memref<10240x64xf32, #tpu.memory_space<vmem_shared>>) target(%arg9 : memref<128x64xf32, #tpu.memory_space<vmem>>) offsets(%dma_start3A_70 : memref<128xi32, #tpu.memory_space<vmem>>) semaphore(%arg13 : memref<!tpu.dma_semaphore, #tpu.memory_space<semaphore_mem>>)
      } else {
      }
    }
    %scan3A_31 = arith.constant 40 : i32
    %barrier3A_32 = arith.constant 0 : index
    tpu.barrier barrier_id(%barrier3A_32)
    %mul3A_33 = arith.constant 640 : i32
    %mul3A_34 = arith.muli %arg1, %mul3A_33 : i32
    %mul3A_35 = arith.constant 640 : i32
    %mul3A_36 = arith.muli %arg1, %mul3A_35 : i32
    "tpu.region"() ({
      %run_scoped3A_37 = tpu.sem_alloc : memref<!tpu.dma_semaphore, #tpu.memory_space<semaphore_mem>>
      %dma_start3A_38 = arith.constant 0 : i32
      %dma_start3A_39 = tpu.memref_slice %arg5[%arg0, %mul3A_36, %dma_start3A_38] : memref<2x10240x128xf32, #tpu.memory_space<hbm>> -> memref<1x640x64xf32, #tpu.memory_space<hbm>>
      %dma_start3A_40 = tpu.memref_squeeze %dma_start3A_39 : memref<1x640x64xf32, #tpu.memory_space<hbm>> -> memref<640x64xf32, #tpu.memory_space<hbm>>
      %dma_start3A_41 = arith.constant 0 : i32
      %dma_start3A_42 = tpu.memref_slice %arg10[%mul3A_34, %dma_start3A_41] : memref<10240x64xf32, #tpu.memory_space<vmem_shared>> -> memref<640x64xf32, #tpu.memory_space<vmem_shared>>
      tpu.enqueue_dma source(%dma_start3A_42 : memref<640x64xf32, #tpu.memory_space<vmem_shared>>) target(%dma_start3A_40 : memref<640x64xf32, #tpu.memory_space<hbm>>) target_semaphore(%run_scoped3A_37 : memref<!tpu.dma_semaphore, #tpu.memory_space<semaphore_mem>>)
      %dma_wait3A = arith.constant 0 : i32
      %dma_wait3A_43 = tpu.memref_slice %arg5[%arg0, %mul3A_36, %dma_wait3A] : memref<2x10240x128xf32, #tpu.memory_space<hbm>> -> memref<1x640x64xf32, #tpu.memory_space<hbm>>
      %dma_wait3A_44 = tpu.memref_squeeze %dma_wait3A_43 : memref<1x640x64xf32, #tpu.memory_space<hbm>> -> memref<640x64xf32, #tpu.memory_space<hbm>>
      %dma_wait3A_45 = arith.constant 0 : i32
      %dma_wait3A_46 = tpu.memref_slice %arg10[%mul3A_34, %dma_wait3A_45] : memref<10240x64xf32, #tpu.memory_space<vmem_shared>> -> memref<640x64xf32, #tpu.memory_space<vmem_shared>>
      tpu.wait_dma2 semaphore(%run_scoped3A_37 : memref<!tpu.dma_semaphore, #tpu.memory_space<semaphore_mem>>) src(%dma_wait3A_46 : memref<640x64xf32, #tpu.memory_space<vmem_shared>>) dst(%dma_wait3A_44 : memref<640x64xf32, #tpu.memory_space<hbm>>)
      tpu.yield
    }) : () -> ()
    return
  }
}

#map = affine_map<(d0, d1) -> (0, 0)>
#map1 = affine_map<(d0, d1) -> (0)>
#map2 = affine_map<(d0, d1) -> (0, 0, 0)>
module attributes {stable_mosaic.version = 14 : i64} {
  func.func @pool_kernel(%arg0: i32, %arg1: i32, %arg2: memref<10240x128xf32, #tpu.memory_space<hbm>>, %arg3: memref<10256xi32, #tpu.memory_space<hbm>>, %arg4: memref<65x64xf32, #tpu.memory_space<hbm>>, %arg5: memref<65x64xf32, #tpu.memory_space<hbm>>, %arg6: memref<32x65x64xf32, #tpu.memory_space<hbm>>, %arg7: memref<32x65x64xf32, #tpu.memory_space<hbm>>, %arg8: memref<320x64xf32, #tpu.memory_space<vmem>>, %arg9: memref<336xi32, #tpu.memory_space<vmem>>, %arg10: memref<65x64xf32, #tpu.memory_space<vmem>>, %arg11: memref<65x64xf32, #tpu.memory_space<vmem>>) attributes {dimension_semantics = [#tpu.dimension_semantics<core_parallel>, #tpu.dimension_semantics<subcore_parallel>], iteration_bounds = array<i64: 2, 16>, scalar_prefetch = 0 : i64, scratch_operands = 4 : i64, tpu.core_type = #tpu.core_type<sc_vector_subcore>, window_params = [{transform_indices = #map}, {transform_indices = #map1}, {transform_indices = #map}, {transform_indices = #map}, {transform_indices = #map2}, {transform_indices = #map2}]} {
    %mul3A = arith.constant 16 : i32
    %mul3A_0 = arith.muli %arg0, %mul3A : i32
    %add3A = arith.addi %mul3A_0, %arg1 : i32
    %mul3A_1 = arith.constant 320 : i32
    %mul3A_2 = arith.muli %add3A, %mul3A_1 : i32
    "tpu.region"() ({
      %run_scoped3A = tpu.sem_alloc : memref<!tpu.dma_semaphore, #tpu.memory_space<semaphore_mem>>
      %dma_start3A = arith.constant 0 : i32
      %dma_start3A_39 = tpu.memref_slice %arg2[%mul3A_2, %dma_start3A] : memref<10240x128xf32, #tpu.memory_space<hbm>> -> memref<320x64xf32, #tpu.memory_space<hbm>>
      %dma_start3A_40 = arith.constant 0 : i32
      %dma_start3A_41 = tpu.memref_slice %arg2[%mul3A_2, %dma_start3A_40] : memref<10240x128xf32, #tpu.memory_space<hbm>> -> memref<320x64xf32, #tpu.memory_space<hbm>>
      tpu.enqueue_dma source(%dma_start3A_41 : memref<320x64xf32, #tpu.memory_space<hbm>>) target(%arg8 : memref<320x64xf32, #tpu.memory_space<vmem>>) target_semaphore(%run_scoped3A : memref<!tpu.dma_semaphore, #tpu.memory_space<semaphore_mem>>)
      %dma_wait3A = arith.constant 0 : i32
      %dma_wait3A_42 = tpu.memref_slice %arg2[%mul3A_2, %dma_wait3A] : memref<10240x128xf32, #tpu.memory_space<hbm>> -> memref<320x64xf32, #tpu.memory_space<hbm>>
      %dma_wait3A_43 = arith.constant 0 : i32
      %dma_wait3A_44 = tpu.memref_slice %arg2[%mul3A_2, %dma_wait3A_43] : memref<10240x128xf32, #tpu.memory_space<hbm>> -> memref<320x64xf32, #tpu.memory_space<hbm>>
      tpu.wait_dma2 semaphore(%run_scoped3A : memref<!tpu.dma_semaphore, #tpu.memory_space<semaphore_mem>>) src(%dma_wait3A_44 : memref<320x64xf32, #tpu.memory_space<hbm>>) dst(%arg8 : memref<320x64xf32, #tpu.memory_space<vmem>>)
      tpu.yield
    }) : () -> ()
    %mul3A_3 = arith.constant 320 : i32
    %mul3A_4 = arith.muli %add3A, %mul3A_3 : i32
    "tpu.region"() ({
      %run_scoped3A = tpu.sem_alloc : memref<!tpu.dma_semaphore, #tpu.memory_space<semaphore_mem>>
      %dma_start3A = tpu.memref_slice %arg3[%mul3A_4] : memref<10256xi32, #tpu.memory_space<hbm>> -> memref<336xi32, #tpu.memory_space<hbm>>
      %dma_start3A_39 = tpu.memref_slice %arg3[%mul3A_4] : memref<10256xi32, #tpu.memory_space<hbm>> -> memref<336xi32, #tpu.memory_space<hbm>>
      tpu.enqueue_dma source(%dma_start3A_39 : memref<336xi32, #tpu.memory_space<hbm>>) target(%arg9 : memref<336xi32, #tpu.memory_space<vmem>>) target_semaphore(%run_scoped3A : memref<!tpu.dma_semaphore, #tpu.memory_space<semaphore_mem>>)
      %dma_wait3A = tpu.memref_slice %arg3[%mul3A_4] : memref<10256xi32, #tpu.memory_space<hbm>> -> memref<336xi32, #tpu.memory_space<hbm>>
      %dma_wait3A_40 = tpu.memref_slice %arg3[%mul3A_4] : memref<10256xi32, #tpu.memory_space<hbm>> -> memref<336xi32, #tpu.memory_space<hbm>>
      tpu.wait_dma2 semaphore(%run_scoped3A : memref<!tpu.dma_semaphore, #tpu.memory_space<semaphore_mem>>) src(%dma_wait3A_40 : memref<336xi32, #tpu.memory_space<hbm>>) dst(%arg9 : memref<336xi32, #tpu.memory_space<vmem>>)
      tpu.yield
    }) : () -> ()
    "tpu.region"() ({
      %run_scoped3A = tpu.sem_alloc : memref<!tpu.dma_semaphore, #tpu.memory_space<semaphore_mem>>
      tpu.enqueue_dma source(%arg4 : memref<65x64xf32, #tpu.memory_space<hbm>>) target(%arg10 : memref<65x64xf32, #tpu.memory_space<vmem>>) target_semaphore(%run_scoped3A : memref<!tpu.dma_semaphore, #tpu.memory_space<semaphore_mem>>)
      tpu.wait_dma2 semaphore(%run_scoped3A : memref<!tpu.dma_semaphore, #tpu.memory_space<semaphore_mem>>) src(%arg4 : memref<65x64xf32, #tpu.memory_space<hbm>>) dst(%arg10 : memref<65x64xf32, #tpu.memory_space<vmem>>)
      tpu.yield
    }) : () -> ()
    "tpu.region"() ({
      %run_scoped3A = tpu.sem_alloc : memref<!tpu.dma_semaphore, #tpu.memory_space<semaphore_mem>>
      tpu.enqueue_dma source(%arg5 : memref<65x64xf32, #tpu.memory_space<hbm>>) target(%arg11 : memref<65x64xf32, #tpu.memory_space<vmem>>) target_semaphore(%run_scoped3A : memref<!tpu.dma_semaphore, #tpu.memory_space<semaphore_mem>>)
      tpu.wait_dma2 semaphore(%run_scoped3A : memref<!tpu.dma_semaphore, #tpu.memory_space<semaphore_mem>>) src(%arg5 : memref<65x64xf32, #tpu.memory_space<hbm>>) dst(%arg11 : memref<65x64xf32, #tpu.memory_space<vmem>>)
      tpu.yield
    }) : () -> ()
    %iota3A = tpu.iota {dimensions = array<i32: 0>} : vector<16xi32>
    %broadcast_in_dim3A = arith.constant 0xFF800000 : f32
    %broadcast_in_dim3A_5 = vector.broadcast %broadcast_in_dim3A : f32 to vector<16xf32>
    %broadcast_in_dim3A_6 = arith.constant 0.000000e+00 : f32
    %broadcast_in_dim3A_7 = vector.broadcast %broadcast_in_dim3A_6 : f32 to vector<16xf32>
    %get3A = arith.constant 0 : index
    %get3A_8 = tpu.vector_load %arg9[%get3A] {strides = array<i32>} : memref<336xi32, #tpu.memory_space<vmem>>, vector<16xi32>,
    %slice3A = vector.extract_strided_slice %get3A_8 {offsets = [0], sizes = [1], strides = [1]} : vector<16xi32> to vector<1xi32>
    %squeeze3A = vector.extract %slice3A[0] : i32 from vector<1xi32>
    %scan3A = arith.constant 0 : i32
    %scan3A_9 = arith.constant 320 : i32
    %scan3A_10 = arith.addi %scan3A, %scan3A_9 : i32
    %scan3A_11 = arith.constant 1 : i32
    %scan3A_12:9 = scf.for %scan3A_39 = %scan3A to %scan3A_10 step %scan3A_11 iter_args(%scan3A_40 = %squeeze3A, %scan3A_41 = %broadcast_in_dim3A_5, %scan3A_42 = %broadcast_in_dim3A_5, %scan3A_43 = %broadcast_in_dim3A_5, %scan3A_44 = %broadcast_in_dim3A_5, %scan3A_45 = %broadcast_in_dim3A_7, %scan3A_46 = %broadcast_in_dim3A_7, %scan3A_47 = %broadcast_in_dim3A_7, %scan3A_48 = %broadcast_in_dim3A_7) -> (i32, vector<16xf32>, vector<16xf32>, vector<16xf32>, vector<16xf32>, vector<16xf32>, vector<16xf32>, vector<16xf32>, vector<16xf32>)  : i32 {
      %get3A_49 = arith.index_cast %scan3A_39 : i32 to index
      %get3A_50 = tpu.vector_load %arg9[%get3A_49] {strides = array<i32>} : memref<336xi32, #tpu.memory_space<vmem>>, vector<16xi32>,
      %slice3A_51 = vector.extract_strided_slice %get3A_50 {offsets = [0], sizes = [1], strides = [1]} : vector<16xi32> to vector<1xi32>
      %squeeze3A_52 = vector.extract %slice3A_51[0] : i32 from vector<1xi32>
      %get3A_53 = arith.index_cast %scan3A_39 : i32 to index
      %get3A_54 = arith.constant 0 : index
      %get3A_55 = tpu.vector_load %arg8[%get3A_53, %get3A_54] {strides = array<i32>} : memref<320x64xf32, #tpu.memory_space<vmem>>, vector<16xf32>,
      %get3A_56 = arith.index_cast %scan3A_39 : i32 to index
      %get3A_57 = arith.constant 16 : index
      %get3A_58 = tpu.vector_load %arg8[%get3A_56, %get3A_57] {strides = array<i32>} : memref<320x64xf32, #tpu.memory_space<vmem>>, vector<16xf32>,
      %get3A_59 = arith.index_cast %scan3A_39 : i32 to index
      %get3A_60 = arith.constant 32 : index
      %get3A_61 = tpu.vector_load %arg8[%get3A_59, %get3A_60] {strides = array<i32>} : memref<320x64xf32, #tpu.memory_space<vmem>>, vector<16xf32>,
      %get3A_62 = arith.index_cast %scan3A_39 : i32 to index
      %get3A_63 = arith.constant 48 : index
      %get3A_64 = tpu.vector_load %arg8[%get3A_62, %get3A_63] {strides = array<i32>} : memref<320x64xf32, #tpu.memory_space<vmem>>, vector<16xf32>,
      %ne3A = arith.cmpi ne, %squeeze3A_52, %scan3A_40 : i32
      %broadcast_in_dim3A_65 = vector.broadcast %ne3A : i1 to vector<16xi1>
      %broadcast_in_dim3A_66 = vector.broadcast %scan3A_40 : i32 to vector<16xi32>
      %add3A_67 = arith.constant 0 : i32
      %add3A_68 = vector.broadcast %add3A_67 : i32 to vector<16xi32>
      %add3A_69 = arith.addi %iota3A, %add3A_68 : vector<16xi32>
      tpu.vector_store_idx %arg10[%broadcast_in_dim3A_66, %add3A_69], %scan3A_45 masked %broadcast_in_dim3A_65 : memref<65x64xf32, #tpu.memory_space<vmem>>[vector<16xi32>, vector<16xi32>], vector<16xf32>, vector<16xi1>
      %add3A_70 = arith.constant 0 : i32
      %add3A_71 = vector.broadcast %add3A_70 : i32 to vector<16xi32>
      %add3A_72 = arith.addi %iota3A, %add3A_71 : vector<16xi32>
      tpu.vector_store_idx %arg11[%broadcast_in_dim3A_66, %add3A_72], %scan3A_41 masked %broadcast_in_dim3A_65 : memref<65x64xf32, #tpu.memory_space<vmem>>[vector<16xi32>, vector<16xi32>], vector<16xf32>, vector<16xi1>
      %add3A_73 = arith.constant 16 : i32
      %add3A_74 = vector.broadcast %add3A_73 : i32 to vector<16xi32>
      %add3A_75 = arith.addi %iota3A, %add3A_74 : vector<16xi32>
      tpu.vector_store_idx %arg10[%broadcast_in_dim3A_66, %add3A_75], %scan3A_46 masked %broadcast_in_dim3A_65 : memref<65x64xf32, #tpu.memory_space<vmem>>[vector<16xi32>, vector<16xi32>], vector<16xf32>, vector<16xi1>
      %add3A_76 = arith.constant 16 : i32
      %add3A_77 = vector.broadcast %add3A_76 : i32 to vector<16xi32>
      %add3A_78 = arith.addi %iota3A, %add3A_77 : vector<16xi32>
      tpu.vector_store_idx %arg11[%broadcast_in_dim3A_66, %add3A_78], %scan3A_42 masked %broadcast_in_dim3A_65 : memref<65x64xf32, #tpu.memory_space<vmem>>[vector<16xi32>, vector<16xi32>], vector<16xf32>, vector<16xi1>
      %add3A_79 = arith.constant 32 : i32
      %add3A_80 = vector.broadcast %add3A_79 : i32 to vector<16xi32>
      %add3A_81 = arith.addi %iota3A, %add3A_80 : vector<16xi32>
      tpu.vector_store_idx %arg10[%broadcast_in_dim3A_66, %add3A_81], %scan3A_47 masked %broadcast_in_dim3A_65 : memref<65x64xf32, #tpu.memory_space<vmem>>[vector<16xi32>, vector<16xi32>], vector<16xf32>, vector<16xi1>
      %add3A_82 = arith.constant 32 : i32
      %add3A_83 = vector.broadcast %add3A_82 : i32 to vector<16xi32>
      %add3A_84 = arith.addi %iota3A, %add3A_83 : vector<16xi32>
      tpu.vector_store_idx %arg11[%broadcast_in_dim3A_66, %add3A_84], %scan3A_43 masked %broadcast_in_dim3A_65 : memref<65x64xf32, #tpu.memory_space<vmem>>[vector<16xi32>, vector<16xi32>], vector<16xf32>, vector<16xi1>
      %add3A_85 = arith.constant 48 : i32
      %add3A_86 = vector.broadcast %add3A_85 : i32 to vector<16xi32>
      %add3A_87 = arith.addi %iota3A, %add3A_86 : vector<16xi32>
      tpu.vector_store_idx %arg10[%broadcast_in_dim3A_66, %add3A_87], %scan3A_48 masked %broadcast_in_dim3A_65 : memref<65x64xf32, #tpu.memory_space<vmem>>[vector<16xi32>, vector<16xi32>], vector<16xf32>, vector<16xi1>
      %add3A_88 = arith.constant 48 : i32
      %add3A_89 = vector.broadcast %add3A_88 : i32 to vector<16xi32>
      %add3A_90 = arith.addi %iota3A, %add3A_89 : vector<16xi32>
      tpu.vector_store_idx %arg11[%broadcast_in_dim3A_66, %add3A_90], %scan3A_44 masked %broadcast_in_dim3A_65 : memref<65x64xf32, #tpu.memory_space<vmem>>[vector<16xi32>, vector<16xi32>], vector<16xf32>, vector<16xi1>
      %max3A = arith.maximumf %scan3A_41, %get3A_55 : vector<16xf32>
      %select_n3A = arith.select %broadcast_in_dim3A_65, %get3A_55, %max3A : vector<16xi1>, vector<16xf32>
      %max3A_91 = arith.maximumf %scan3A_42, %get3A_58 : vector<16xf32>
      %select_n3A_92 = arith.select %broadcast_in_dim3A_65, %get3A_58, %max3A_91 : vector<16xi1>, vector<16xf32>
      %max3A_93 = arith.maximumf %scan3A_43, %get3A_61 : vector<16xf32>
      %select_n3A_94 = arith.select %broadcast_in_dim3A_65, %get3A_61, %max3A_93 : vector<16xi1>, vector<16xf32>
      %max3A_95 = arith.maximumf %scan3A_44, %get3A_64 : vector<16xf32>
      %select_n3A_96 = arith.select %broadcast_in_dim3A_65, %get3A_64, %max3A_95 : vector<16xi1>, vector<16xf32>
      %add3A_97 = arith.addf %scan3A_45, %get3A_55 : vector<16xf32>
      %select_n3A_98 = arith.select %broadcast_in_dim3A_65, %get3A_55, %add3A_97 : vector<16xi1>, vector<16xf32>
      %add3A_99 = arith.addf %scan3A_46, %get3A_58 : vector<16xf32>
      %select_n3A_100 = arith.select %broadcast_in_dim3A_65, %get3A_58, %add3A_99 : vector<16xi1>, vector<16xf32>
      %add3A_101 = arith.addf %scan3A_47, %get3A_61 : vector<16xf32>
      %select_n3A_102 = arith.select %broadcast_in_dim3A_65, %get3A_61, %add3A_101 : vector<16xi1>, vector<16xf32>
      %add3A_103 = arith.addf %scan3A_48, %get3A_64 : vector<16xf32>
      %select_n3A_104 = arith.select %broadcast_in_dim3A_65, %get3A_64, %add3A_103 : vector<16xi1>, vector<16xf32>
      scf.yield %squeeze3A_52, %select_n3A, %select_n3A_92, %select_n3A_94, %select_n3A_96, %select_n3A_98, %select_n3A_100, %select_n3A_102, %select_n3A_104 : i32, vector<16xf32>, vector<16xf32>, vector<16xf32>, vector<16xf32>, vector<16xf32>, vector<16xf32>, vector<16xf32>, vector<16xf32>
    }
    %scan3A_13 = arith.constant 320 : i32
    %broadcast_in_dim3A_14 = vector.broadcast %scan3A_12#0 : i32 to vector<16xi32>
    %add3A_15 = arith.constant 0 : i32
    %add3A_16 = vector.broadcast %add3A_15 : i32 to vector<16xi32>
    %add3A_17 = arith.addi %iota3A, %add3A_16 : vector<16xi32>
    tpu.vector_store_idx %arg10[%broadcast_in_dim3A_14, %add3A_17], %scan3A_12#5 : memref<65x64xf32, #tpu.memory_space<vmem>>[vector<16xi32>, vector<16xi32>], vector<16xf32>,
    %add3A_18 = arith.constant 0 : i32
    %add3A_19 = vector.broadcast %add3A_18 : i32 to vector<16xi32>
    %add3A_20 = arith.addi %iota3A, %add3A_19 : vector<16xi32>
    tpu.vector_store_idx %arg11[%broadcast_in_dim3A_14, %add3A_20], %scan3A_12#1 : memref<65x64xf32, #tpu.memory_space<vmem>>[vector<16xi32>, vector<16xi32>], vector<16xf32>,
    %add3A_21 = arith.constant 16 : i32
    %add3A_22 = vector.broadcast %add3A_21 : i32 to vector<16xi32>
    %add3A_23 = arith.addi %iota3A, %add3A_22 : vector<16xi32>
    tpu.vector_store_idx %arg10[%broadcast_in_dim3A_14, %add3A_23], %scan3A_12#6 : memref<65x64xf32, #tpu.memory_space<vmem>>[vector<16xi32>, vector<16xi32>], vector<16xf32>,
    %add3A_24 = arith.constant 16 : i32
    %add3A_25 = vector.broadcast %add3A_24 : i32 to vector<16xi32>
    %add3A_26 = arith.addi %iota3A, %add3A_25 : vector<16xi32>
    tpu.vector_store_idx %arg11[%broadcast_in_dim3A_14, %add3A_26], %scan3A_12#2 : memref<65x64xf32, #tpu.memory_space<vmem>>[vector<16xi32>, vector<16xi32>], vector<16xf32>,
    %add3A_27 = arith.constant 32 : i32
    %add3A_28 = vector.broadcast %add3A_27 : i32 to vector<16xi32>
    %add3A_29 = arith.addi %iota3A, %add3A_28 : vector<16xi32>
    tpu.vector_store_idx %arg10[%broadcast_in_dim3A_14, %add3A_29], %scan3A_12#7 : memref<65x64xf32, #tpu.memory_space<vmem>>[vector<16xi32>, vector<16xi32>], vector<16xf32>,
    %add3A_30 = arith.constant 32 : i32
    %add3A_31 = vector.broadcast %add3A_30 : i32 to vector<16xi32>
    %add3A_32 = arith.addi %iota3A, %add3A_31 : vector<16xi32>
    tpu.vector_store_idx %arg11[%broadcast_in_dim3A_14, %add3A_32], %scan3A_12#3 : memref<65x64xf32, #tpu.memory_space<vmem>>[vector<16xi32>, vector<16xi32>], vector<16xf32>,
    %add3A_33 = arith.constant 48 : i32
    %add3A_34 = vector.broadcast %add3A_33 : i32 to vector<16xi32>
    %add3A_35 = arith.addi %iota3A, %add3A_34 : vector<16xi32>
    tpu.vector_store_idx %arg10[%broadcast_in_dim3A_14, %add3A_35], %scan3A_12#8 : memref<65x64xf32, #tpu.memory_space<vmem>>[vector<16xi32>, vector<16xi32>], vector<16xf32>,
    %add3A_36 = arith.constant 48 : i32
    %add3A_37 = vector.broadcast %add3A_36 : i32 to vector<16xi32>
    %add3A_38 = arith.addi %iota3A, %add3A_37 : vector<16xi32>
    tpu.vector_store_idx %arg11[%broadcast_in_dim3A_14, %add3A_38], %scan3A_12#4 : memref<65x64xf32, #tpu.memory_space<vmem>>[vector<16xi32>, vector<16xi32>], vector<16xf32>,
    "tpu.region"() ({
      %run_scoped3A = tpu.sem_alloc : memref<!tpu.dma_semaphore, #tpu.memory_space<semaphore_mem>>
      %dma_start3A = arith.constant 0 : i32
      %dma_start3A_39 = arith.constant 0 : i32
      %dma_start3A_40 = tpu.memref_slice %arg6[%add3A, %dma_start3A, %dma_start3A_39] : memref<32x65x64xf32, #tpu.memory_space<hbm>> -> memref<1x65x64xf32, #tpu.memory_space<hbm>>
      %dma_start3A_41 = tpu.memref_squeeze %dma_start3A_40 : memref<1x65x64xf32, #tpu.memory_space<hbm>> -> memref<65x64xf32, #tpu.memory_space<hbm>>
      %dma_start3A_42 = arith.constant 0 : i32
      %dma_start3A_43 = arith.constant 0 : i32
      %dma_start3A_44 = tpu.memref_slice %arg6[%add3A, %dma_start3A_42, %dma_start3A_43] : memref<32x65x64xf32, #tpu.memory_space<hbm>> -> memref<1x65x64xf32, #tpu.memory_space<hbm>>
      %dma_start3A_45 = tpu.memref_squeeze %dma_start3A_44 : memref<1x65x64xf32, #tpu.memory_space<hbm>> -> memref<65x64xf32, #tpu.memory_space<hbm>>
      tpu.enqueue_dma source(%arg10 : memref<65x64xf32, #tpu.memory_space<vmem>>) target(%dma_start3A_45 : memref<65x64xf32, #tpu.memory_space<hbm>>) target_semaphore(%run_scoped3A : memref<!tpu.dma_semaphore, #tpu.memory_space<semaphore_mem>>)
      %dma_wait3A = arith.constant 0 : i32
      %dma_wait3A_46 = arith.constant 0 : i32
      %dma_wait3A_47 = tpu.memref_slice %arg6[%add3A, %dma_wait3A, %dma_wait3A_46] : memref<32x65x64xf32, #tpu.memory_space<hbm>> -> memref<1x65x64xf32, #tpu.memory_space<hbm>>
      %dma_wait3A_48 = tpu.memref_squeeze %dma_wait3A_47 : memref<1x65x64xf32, #tpu.memory_space<hbm>> -> memref<65x64xf32, #tpu.memory_space<hbm>>
      %dma_wait3A_49 = arith.constant 0 : i32
      %dma_wait3A_50 = arith.constant 0 : i32
      %dma_wait3A_51 = tpu.memref_slice %arg6[%add3A, %dma_wait3A_49, %dma_wait3A_50] : memref<32x65x64xf32, #tpu.memory_space<hbm>> -> memref<1x65x64xf32, #tpu.memory_space<hbm>>
      %dma_wait3A_52 = tpu.memref_squeeze %dma_wait3A_51 : memref<1x65x64xf32, #tpu.memory_space<hbm>> -> memref<65x64xf32, #tpu.memory_space<hbm>>
      tpu.wait_dma2 semaphore(%run_scoped3A : memref<!tpu.dma_semaphore, #tpu.memory_space<semaphore_mem>>) src(%arg10 : memref<65x64xf32, #tpu.memory_space<vmem>>) dst(%dma_wait3A_52 : memref<65x64xf32, #tpu.memory_space<hbm>>)
      tpu.yield
    }) : () -> ()
    "tpu.region"() ({
      %run_scoped3A = tpu.sem_alloc : memref<!tpu.dma_semaphore, #tpu.memory_space<semaphore_mem>>
      %dma_start3A = arith.constant 0 : i32
      %dma_start3A_39 = arith.constant 0 : i32
      %dma_start3A_40 = tpu.memref_slice %arg7[%add3A, %dma_start3A, %dma_start3A_39] : memref<32x65x64xf32, #tpu.memory_space<hbm>> -> memref<1x65x64xf32, #tpu.memory_space<hbm>>
      %dma_start3A_41 = tpu.memref_squeeze %dma_start3A_40 : memref<1x65x64xf32, #tpu.memory_space<hbm>> -> memref<65x64xf32, #tpu.memory_space<hbm>>
      %dma_start3A_42 = arith.constant 0 : i32
      %dma_start3A_43 = arith.constant 0 : i32
      %dma_start3A_44 = tpu.memref_slice %arg7[%add3A, %dma_start3A_42, %dma_start3A_43] : memref<32x65x64xf32, #tpu.memory_space<hbm>> -> memref<1x65x64xf32, #tpu.memory_space<hbm>>
      %dma_start3A_45 = tpu.memref_squeeze %dma_start3A_44 : memref<1x65x64xf32, #tpu.memory_space<hbm>> -> memref<65x64xf32, #tpu.memory_space<hbm>>
      tpu.enqueue_dma source(%arg11 : memref<65x64xf32, #tpu.memory_space<vmem>>) target(%dma_start3A_45 : memref<65x64xf32, #tpu.memory_space<hbm>>) target_semaphore(%run_scoped3A : memref<!tpu.dma_semaphore, #tpu.memory_space<semaphore_mem>>)
      %dma_wait3A = arith.constant 0 : i32
      %dma_wait3A_46 = arith.constant 0 : i32
      %dma_wait3A_47 = tpu.memref_slice %arg7[%add3A, %dma_wait3A, %dma_wait3A_46] : memref<32x65x64xf32, #tpu.memory_space<hbm>> -> memref<1x65x64xf32, #tpu.memory_space<hbm>>
      %dma_wait3A_48 = tpu.memref_squeeze %dma_wait3A_47 : memref<1x65x64xf32, #tpu.memory_space<hbm>> -> memref<65x64xf32, #tpu.memory_space<hbm>>
      %dma_wait3A_49 = arith.constant 0 : i32
      %dma_wait3A_50 = arith.constant 0 : i32
      %dma_wait3A_51 = tpu.memref_slice %arg7[%add3A, %dma_wait3A_49, %dma_wait3A_50] : memref<32x65x64xf32, #tpu.memory_space<hbm>> -> memref<1x65x64xf32, #tpu.memory_space<hbm>>
      %dma_wait3A_52 = tpu.memref_squeeze %dma_wait3A_51 : memref<1x65x64xf32, #tpu.memory_space<hbm>> -> memref<65x64xf32, #tpu.memory_space<hbm>>
      tpu.wait_dma2 semaphore(%run_scoped3A : memref<!tpu.dma_semaphore, #tpu.memory_space<semaphore_mem>>) src(%arg11 : memref<65x64xf32, #tpu.memory_space<vmem>>) dst(%dma_wait3A_52 : memref<65x64xf32, #tpu.memory_space<hbm>>)
      tpu.yield
    }) : () -> ()
    return
  }
}

module attributes {stable_mosaic.version = 14 : i64} {
  func.func @body(%arg0: i32, %arg1: memref<1000x128xf32, #tpu.memory_space<vmem>>, %arg2: memref<128x64xf32, #tpu.memory_space<vmem>>, %arg3: memref<1000x128xf32, #tpu.memory_space<vmem>>) attributes {dimension_semantics = [#tpu.dimension_semantics<arbitrary>], iteration_bounds = array<i64: 10>, scalar_prefetch = 0 : i64, scratch_operands = 0 : i64, tpu.core_type = #tpu.core_type<tc>, window_params = [{transform_indices = @transform_0, window_bounds = array<i64: 1000, 128>}, {pipeline_mode = #tpu.pipeline_mode<synchronous>, transform_indices = @transform_1, window_bounds = array<i64: 128, 64>}, {transform_indices = @transform_2, window_bounds = array<i64: 1000, 128>}]} {
    %get3A = arith.constant 0 : index
    %get3A_0 = arith.constant 0 : index
    %get3A_1 = vector.load %arg1[%get3A, %get3A_0] : memref<1000x128xf32, #tpu.memory_space<vmem>>, vector<1000x128xf32>
    %get3A_2 = arith.constant 0 : index
    %get3A_3 = arith.constant 0 : index
    %get3A_4 = vector.load %arg2[%get3A_2, %get3A_3] : memref<128x64xf32, #tpu.memory_space<vmem>>, vector<128x64xf32>
    %dot_general3A = arith.constant dense<0.000000e+00> : vector<1000x64xf32>
    %dot_general3A_5 = tpu.matmul %get3A_1, %get3A_4, %dot_general3A {dimension_numbers = #tpu.dot_dimension_numbers<[1], [0], [0], [1], [0, 0, 1, 1], [], []>, transpose_lhs_hint = false} : vector<1000x128xf32>, vector<128x64xf32>, vector<1000x64xf32> -> vector<1000x64xf32>
    %broadcast_in_dim3A = arith.constant 0.000000e+00 : f32
    %broadcast_in_dim3A_6 = vector.broadcast %broadcast_in_dim3A : f32 to vector<1000x64xf32>
    %concatenate3A = tpu.concatenate %dot_general3A_5, %broadcast_in_dim3A_6 in 1 : vector<1000x64xf32>, vector<1000x64xf32> -> vector<1000x128xf32>
    %swap3A = arith.constant 0 : index
    %swap3A_7 = arith.constant 0 : index
    %swap3A_8 = vector.load %arg3[%swap3A, %swap3A_7] : memref<1000x128xf32, #tpu.memory_space<vmem>>, vector<1000x128xf32>
    tpu.vector_store %arg3[%swap3A, %swap3A_7], %concatenate3A {strides = array<i32>} : memref<1000x128xf32, #tpu.memory_space<vmem>>, vector<1000x128xf32>,
    return
  }
  func.func @transform_0(%arg0: i32) -> (i32, i32) {
    %c0_i32 = arith.constant 0 : i32
    %c0_i32_0 = arith.constant 0 : i32
    return %arg0, %c0_i32 : i32, i32
  }
  func.func @transform_1(%arg0: i32) -> (i32, i32) {
    %c0_i32 = arith.constant 0 : i32
    %c0_i32_0 = arith.constant 0 : i32
    %c0_i32_1 = arith.constant 0 : i32
    return %c0_i32, %c0_i32_0 : i32, i32
  }
  func.func @transform_2(%arg0: i32) -> (i32, i32) {
    %c0_i32 = arith.constant 0 : i32
    %c0_i32_0 = arith.constant 0 : i32
    return %arg0, %c0_i32 : i32, i32
  }
}

module attributes {stable_mosaic.version = 14 : i64} {
  func.func @body(%arg0: i32, %arg1: memref<2x1024x8xf32, #tpu.memory_space<vmem>>, %arg2: memref<1024x128xf32, #tpu.memory_space<vmem>>, %arg3: memref<1024x128xf32, #tpu.memory_space<vmem>>) attributes {dimension_semantics = [#tpu.dimension_semantics<arbitrary>], iteration_bounds = array<i64: 10>, scalar_prefetch = 0 : i64, scratch_operands = 0 : i64, tpu.core_type = #tpu.core_type<tc>, window_params = [{transform_indices = @transform_0, window_bounds = array<i64: 2, 1024, 8>}, {transform_indices = @transform_1, window_bounds = array<i64: 1024, 128>}, {transform_indices = @transform_2, window_bounds = array<i64: 1024, 128>}]} {
    %get3A = arith.constant 0 : index
    %get3A_0 = arith.constant 0 : index
    %get3A_1 = arith.constant 0 : index
    %get3A_2 = vector.load %arg1[%get3A, %get3A_0, %get3A_1] : memref<2x1024x8xf32, #tpu.memory_space<vmem>>, vector<2x1024x8xf32>
    %slice3A = vector.extract_strided_slice %get3A_2 {offsets = [0, 0, 0], sizes = [1, 1024, 1], strides = [1, 1, 1]} : vector<2x1024x8xf32> to vector<1x1024x1xf32>
    %squeeze3A = vector.shape_cast %slice3A : vector<1x1024x1xf32> to vector<1024xf32>
    %slice3A_3 = vector.extract_strided_slice %get3A_2 {offsets = [1, 0, 0], sizes = [1, 1024, 1], strides = [1, 1, 1]} : vector<2x1024x8xf32> to vector<1x1024x1xf32>
    %squeeze3A_4 = vector.shape_cast %slice3A_3 : vector<1x1024x1xf32> to vector<1024xf32>
    %add3A = arith.addf %squeeze3A, %squeeze3A_4 : vector<1024xf32>
    %add3A_5 = arith.constant 1.000000e+00 : f32
    %add3A_6 = vector.broadcast %add3A_5 : f32 to vector<1024xf32>
    %add3A_7 = arith.addf %add3A, %add3A_6 : vector<1024xf32>
    %rsqrt3A = math.rsqrt %add3A_7 : vector<1024xf32>
    %get3A_8 = arith.constant 0 : index
    %get3A_9 = arith.constant 0 : index
    %get3A_10 = vector.load %arg2[%get3A_8, %get3A_9] : memref<1024x128xf32, #tpu.memory_space<vmem>>, vector<1024x128xf32>
    %broadcast_in_dim3A = vector.shape_cast %rsqrt3A : vector<1024xf32> to vector<1024x1xf32>
    %mul3A = vector.broadcast %broadcast_in_dim3A : vector<1024x1xf32> to vector<1024x128xf32>
    %mul3A_11 = arith.mulf %get3A_10, %mul3A : vector<1024x128xf32>
    %swap3A = arith.constant 0 : index
    %swap3A_12 = arith.constant 0 : index
    %swap3A_13 = vector.load %arg3[%swap3A, %swap3A_12] : memref<1024x128xf32, #tpu.memory_space<vmem>>, vector<1024x128xf32>
    tpu.vector_store %arg3[%swap3A, %swap3A_12], %mul3A_11 {strides = array<i32>} : memref<1024x128xf32, #tpu.memory_space<vmem>>, vector<1024x128xf32>,
    return
  }
  func.func @transform_0(%arg0: i32) -> (i32, i32, i32) {
    %c0_i32 = arith.constant 0 : i32
    %c0_i32_0 = arith.constant 0 : i32
    %c0_i32_1 = arith.constant 0 : i32
    return %c0_i32, %arg0, %c0_i32_0 : i32, i32, i32
  }
  func.func @transform_1(%arg0: i32) -> (i32, i32) {
    %c0_i32 = arith.constant 0 : i32
    %c0_i32_0 = arith.constant 0 : i32
    return %arg0, %c0_i32 : i32, i32
  }
  func.func @transform_2(%arg0: i32) -> (i32, i32) {
    %c0_i32 = arith.constant 0 : i32
    %c0_i32_0 = arith.constant 0 : i32
    return %arg0, %c0_i32 : i32, i32
  }
}

module attributes {stable_mosaic.version = 14 : i64} {
  func.func @body(%arg0: i32, %arg1: memref<2x1024x128xf32, #tpu.memory_space<vmem>>, %arg2: memref<2x1024x8xf32, #tpu.memory_space<vmem>>, %arg3: memref<1024x128xf32, #tpu.memory_space<vmem>>, %arg4: memref<1x64xf32, #tpu.memory_space<vmem>>, %arg5: memref<1x64xf32, #tpu.memory_space<vmem>>, %arg6: memref<1x64xf32, #tpu.memory_space<vmem>>, %arg7: memref<1x64xf32, #tpu.memory_space<vmem>>, %arg8: memref<1x64xf32, #tpu.memory_space<vmem>>, %arg9: memref<1024x128xf32, #tpu.memory_space<vmem>>) attributes {dimension_semantics = [#tpu.dimension_semantics<arbitrary>], iteration_bounds = array<i64: 10>, scalar_prefetch = 0 : i64, scratch_operands = 0 : i64, tpu.core_type = #tpu.core_type<tc>, window_params = [{transform_indices = @transform_0, window_bounds = array<i64: 2, 1024, 128>}, {transform_indices = @transform_1, window_bounds = array<i64: 2, 1024, 8>}, {transform_indices = @transform_2, window_bounds = array<i64: 1024, 128>}, {pipeline_mode = #tpu.pipeline_mode<synchronous>, transform_indices = @transform_3, window_bounds = array<i64: 1, 64>}, {pipeline_mode = #tpu.pipeline_mode<synchronous>, transform_indices = @transform_4, window_bounds = array<i64: 1, 64>}, {pipeline_mode = #tpu.pipeline_mode<synchronous>, transform_indices = @transform_5, window_bounds = array<i64: 1, 64>}, {pipeline_mode = #tpu.pipeline_mode<synchronous>, transform_indices = @transform_6, window_bounds = array<i64: 1, 64>}, {pipeline_mode = #tpu.pipeline_mode<synchronous>, transform_indices = @transform_7, window_bounds = array<i64: 1, 64>}, {transform_indices = @transform_8, window_bounds = array<i64: 1024, 128>}]} {
    %get3A = arith.constant 0 : index
    %get3A_0 = arith.constant 0 : index
    %get3A_1 = arith.constant 0 : index
    %get3A_2 = vector.load %arg2[%get3A, %get3A_0, %get3A_1] : memref<2x1024x8xf32, #tpu.memory_space<vmem>>, vector<2x1024x8xf32>
    %slice3A = vector.extract_strided_slice %get3A_2 {offsets = [0, 0, 0], sizes = [1, 1024, 1], strides = [1, 1, 1]} : vector<2x1024x8xf32> to vector<1x1024x1xf32>
    %squeeze3A = vector.shape_cast %slice3A : vector<1x1024x1xf32> to vector<1024xf32>
    %slice3A_3 = vector.extract_strided_slice %get3A_2 {offsets = [1, 0, 0], sizes = [1, 1024, 1], strides = [1, 1, 1]} : vector<2x1024x8xf32> to vector<1x1024x1xf32>
    %squeeze3A_4 = vector.shape_cast %slice3A_3 : vector<1x1024x1xf32> to vector<1024xf32>
    %add3A = arith.addf %squeeze3A, %squeeze3A_4 : vector<1024xf32>
    %add3A_5 = arith.constant 1.000000e+00 : f32
    %add3A_6 = vector.broadcast %add3A_5 : f32 to vector<1024xf32>
    %add3A_7 = arith.addf %add3A, %add3A_6 : vector<1024xf32>
    %rsqrt3A = math.rsqrt %add3A_7 : vector<1024xf32>
    %get3A_8 = arith.constant 0 : index
    %get3A_9 = arith.constant 0 : index
    %get3A_10 = arith.constant 0 : index
    %get3A_11 = vector.load %arg1[%get3A_8, %get3A_9, %get3A_10] : memref<2x1024x128xf32, #tpu.memory_space<vmem>>, vector<1x1024x64xf32>
    %get3A_12 = vector.shape_cast %get3A_11 : vector<1x1024x64xf32> to vector<1024x64xf32>
    %get3A_13 = arith.constant 1 : index
    %get3A_14 = arith.constant 0 : index
    %get3A_15 = arith.constant 0 : index
    %get3A_16 = vector.load %arg1[%get3A_13, %get3A_14, %get3A_15] : memref<2x1024x128xf32, #tpu.memory_space<vmem>>, vector<1x1024x64xf32>
    %get3A_17 = vector.shape_cast %get3A_16 : vector<1x1024x64xf32> to vector<1024x64xf32>
    %add3A_18 = arith.addf %get3A_12, %get3A_17 : vector<1024x64xf32>
    %get3A_19 = arith.constant 0 : index
    %get3A_20 = arith.constant 0 : index
    %get3A_21 = vector.load %arg3[%get3A_19, %get3A_20] : memref<1024x128xf32, #tpu.memory_space<vmem>>, vector<1024x64xf32>
    %add3A_22 = arith.addf %add3A_18, %get3A_21 : vector<1024x64xf32>
    %broadcast_in_dim3A = vector.shape_cast %rsqrt3A : vector<1024xf32> to vector<1024x1xf32>
    %mul3A = vector.broadcast %broadcast_in_dim3A : vector<1024x1xf32> to vector<1024x64xf32>
    %mul3A_23 = arith.mulf %add3A_22, %mul3A : vector<1024x64xf32>
    %get3A_24 = arith.constant 0 : index
    %get3A_25 = arith.constant 0 : index
    %get3A_26 = vector.load %arg4[%get3A_24, %get3A_25] : memref<1x64xf32, #tpu.memory_space<vmem>>, vector<1x64xf32>
    %add3A_27 = vector.broadcast %get3A_26 : vector<1x64xf32> to vector<1024x64xf32>
    %add3A_28 = arith.addf %mul3A_23, %add3A_27 : vector<1024x64xf32>
    %get3A_29 = arith.constant 0 : index
    %get3A_30 = arith.constant 0 : index
    %get3A_31 = vector.load %arg5[%get3A_29, %get3A_30] : memref<1x64xf32, #tpu.memory_space<vmem>>, vector<1x64xf32>
    %get3A_32 = arith.constant 0 : index
    %get3A_33 = arith.constant 0 : index
    %get3A_34 = vector.load %arg6[%get3A_32, %get3A_33] : memref<1x64xf32, #tpu.memory_space<vmem>>, vector<1x64xf32>
    %get3A_35 = arith.constant 0 : index
    %get3A_36 = arith.constant 0 : index
    %get3A_37 = vector.load %arg7[%get3A_35, %get3A_36] : memref<1x64xf32, #tpu.memory_space<vmem>>, vector<1x64xf32>
    %get3A_38 = arith.constant 0 : index
    %get3A_39 = arith.constant 0 : index
    %get3A_40 = vector.load %arg8[%get3A_38, %get3A_39] : memref<1x64xf32, #tpu.memory_space<vmem>>, vector<1x64xf32>
    %sub3A = vector.broadcast %get3A_37 : vector<1x64xf32> to vector<1024x64xf32>
    %sub3A_41 = arith.subf %add3A_28, %sub3A : vector<1024x64xf32>
    %add3A_42 = arith.constant 9.99999974E-6 : f32
    %add3A_43 = vector.broadcast %add3A_42 : f32 to vector<1x64xf32>
    %add3A_44 = arith.addf %get3A_40, %add3A_43 : vector<1x64xf32>
    %rsqrt3A_45 = math.rsqrt %add3A_44 : vector<1x64xf32>
    %mul3A_46 = vector.broadcast %rsqrt3A_45 : vector<1x64xf32> to vector<1024x64xf32>
    %mul3A_47 = arith.mulf %sub3A_41, %mul3A_46 : vector<1024x64xf32>
    %mul3A_48 = vector.broadcast %get3A_31 : vector<1x64xf32> to vector<1024x64xf32>
    %mul3A_49 = arith.mulf %mul3A_47, %mul3A_48 : vector<1024x64xf32>
    %add3A_50 = vector.broadcast %get3A_34 : vector<1x64xf32> to vector<1024x64xf32>
    %add3A_51 = arith.addf %mul3A_49, %add3A_50 : vector<1024x64xf32>
    %max3A = arith.constant 0.000000e+00 : f32
    %max3A_52 = vector.broadcast %max3A : f32 to vector<1024x64xf32>
    %max3A_53 = arith.maximumf %add3A_51, %max3A_52 : vector<1024x64xf32>
    %broadcast_in_dim3A_54 = arith.constant 0.000000e+00 : f32
    %broadcast_in_dim3A_55 = vector.broadcast %broadcast_in_dim3A_54 : f32 to vector<1024x64xf32>
    %concatenate3A = tpu.concatenate %max3A_53, %broadcast_in_dim3A_55 in 1 : vector<1024x64xf32>, vector<1024x64xf32> -> vector<1024x128xf32>
    %swap3A = arith.constant 0 : index
    %swap3A_56 = arith.constant 0 : index
    %swap3A_57 = vector.load %arg9[%swap3A, %swap3A_56] : memref<1024x128xf32, #tpu.memory_space<vmem>>, vector<1024x128xf32>
    tpu.vector_store %arg9[%swap3A, %swap3A_56], %concatenate3A {strides = array<i32>} : memref<1024x128xf32, #tpu.memory_space<vmem>>, vector<1024x128xf32>,
    return
  }
  func.func @transform_0(%arg0: i32) -> (i32, i32, i32) {
    %c0_i32 = arith.constant 0 : i32
    %c0_i32_0 = arith.constant 0 : i32
    %c0_i32_1 = arith.constant 0 : i32
    return %c0_i32, %arg0, %c0_i32_0 : i32, i32, i32
  }
  func.func @transform_1(%arg0: i32) -> (i32, i32, i32) {
    %c0_i32 = arith.constant 0 : i32
    %c0_i32_0 = arith.constant 0 : i32
    %c0_i32_1 = arith.constant 0 : i32
    return %c0_i32, %arg0, %c0_i32_0 : i32, i32, i32
  }
  func.func @transform_2(%arg0: i32) -> (i32, i32) {
    %c0_i32 = arith.constant 0 : i32
    %c0_i32_0 = arith.constant 0 : i32
    return %arg0, %c0_i32 : i32, i32
  }
  func.func @transform_3(%arg0: i32) -> (i32, i32) {
    %c0_i32 = arith.constant 0 : i32
    %c0_i32_0 = arith.constant 0 : i32
    %c0_i32_1 = arith.constant 0 : i32
    return %c0_i32, %c0_i32_0 : i32, i32
  }
  func.func @transform_4(%arg0: i32) -> (i32, i32) {
    %c0_i32 = arith.constant 0 : i32
    %c0_i32_0 = arith.constant 0 : i32
    %c0_i32_1 = arith.constant 0 : i32
    return %c0_i32, %c0_i32_0 : i32, i32
  }
  func.func @transform_5(%arg0: i32) -> (i32, i32) {
    %c0_i32 = arith.constant 0 : i32
    %c0_i32_0 = arith.constant 0 : i32
    %c0_i32_1 = arith.constant 0 : i32
    return %c0_i32, %c0_i32_0 : i32, i32
  }
  func.func @transform_6(%arg0: i32) -> (i32, i32) {
    %c0_i32 = arith.constant 0 : i32
    %c0_i32_0 = arith.constant 0 : i32
    %c0_i32_1 = arith.constant 0 : i32
    return %c0_i32, %c0_i32_0 : i32, i32
  }
  func.func @transform_7(%arg0: i32) -> (i32, i32) {
    %c0_i32 = arith.constant 0 : i32
    %c0_i32_0 = arith.constant 0 : i32
    %c0_i32_1 = arith.constant 0 : i32
    return %c0_i32, %c0_i32_0 : i32, i32
  }
  func.func @transform_8(%arg0: i32) -> (i32, i32) {
    %c0_i32 = arith.constant 0 : i32
    %c0_i32_0 = arith.constant 0 : i32
    return %arg0, %c0_i32 : i32, i32
  }
}

module attributes {stable_mosaic.version = 14 : i64} {
  func.func @body(%arg0: i32, %arg1: memref<2x1024x128xf32, #tpu.memory_space<vmem>>, %arg2: memref<2x1024x8xf32, #tpu.memory_space<vmem>>, %arg3: memref<1024x128xf32, #tpu.memory_space<vmem>>, %arg4: memref<1x64xf32, #tpu.memory_space<vmem>>, %arg5: memref<1x64xf32, #tpu.memory_space<vmem>>, %arg6: memref<1x64xf32, #tpu.memory_space<vmem>>, %arg7: memref<1x64xf32, #tpu.memory_space<vmem>>, %arg8: memref<1x64xf32, #tpu.memory_space<vmem>>, %arg9: memref<64x64xf32, #tpu.memory_space<vmem>>, %arg10: memref<1024x128xf32, #tpu.memory_space<vmem>>) attributes {dimension_semantics = [#tpu.dimension_semantics<arbitrary>], iteration_bounds = array<i64: 10>, scalar_prefetch = 0 : i64, scratch_operands = 0 : i64, tpu.core_type = #tpu.core_type<tc>, window_params = [{transform_indices = @transform_0, window_bounds = array<i64: 2, 1024, 128>}, {transform_indices = @transform_1, window_bounds = array<i64: 2, 1024, 8>}, {transform_indices = @transform_2, window_bounds = array<i64: 1024, 128>}, {pipeline_mode = #tpu.pipeline_mode<synchronous>, transform_indices = @transform_3, window_bounds = array<i64: 1, 64>}, {pipeline_mode = #tpu.pipeline_mode<synchronous>, transform_indices = @transform_4, window_bounds = array<i64: 1, 64>}, {pipeline_mode = #tpu.pipeline_mode<synchronous>, transform_indices = @transform_5, window_bounds = array<i64: 1, 64>}, {pipeline_mode = #tpu.pipeline_mode<synchronous>, transform_indices = @transform_6, window_bounds = array<i64: 1, 64>}, {pipeline_mode = #tpu.pipeline_mode<synchronous>, transform_indices = @transform_7, window_bounds = array<i64: 1, 64>}, {pipeline_mode = #tpu.pipeline_mode<synchronous>, transform_indices = @transform_8, window_bounds = array<i64: 64, 64>}, {transform_indices = @transform_9, window_bounds = array<i64: 1024, 128>}]} {
    %get3A = arith.constant 0 : index
    %get3A_0 = arith.constant 0 : index
    %get3A_1 = arith.constant 0 : index
    %get3A_2 = vector.load %arg2[%get3A, %get3A_0, %get3A_1] : memref<2x1024x8xf32, #tpu.memory_space<vmem>>, vector<2x1024x8xf32>
    %slice3A = vector.extract_strided_slice %get3A_2 {offsets = [0, 0, 0], sizes = [1, 1024, 1], strides = [1, 1, 1]} : vector<2x1024x8xf32> to vector<1x1024x1xf32>
    %squeeze3A = vector.shape_cast %slice3A : vector<1x1024x1xf32> to vector<1024xf32>
    %slice3A_3 = vector.extract_strided_slice %get3A_2 {offsets = [1, 0, 0], sizes = [1, 1024, 1], strides = [1, 1, 1]} : vector<2x1024x8xf32> to vector<1x1024x1xf32>
    %squeeze3A_4 = vector.shape_cast %slice3A_3 : vector<1x1024x1xf32> to vector<1024xf32>
    %add3A = arith.addf %squeeze3A, %squeeze3A_4 : vector<1024xf32>
    %add3A_5 = arith.constant 1.000000e+00 : f32
    %add3A_6 = vector.broadcast %add3A_5 : f32 to vector<1024xf32>
    %add3A_7 = arith.addf %add3A, %add3A_6 : vector<1024xf32>
    %rsqrt3A = math.rsqrt %add3A_7 : vector<1024xf32>
    %get3A_8 = arith.constant 0 : index
    %get3A_9 = arith.constant 0 : index
    %get3A_10 = arith.constant 0 : index
    %get3A_11 = vector.load %arg1[%get3A_8, %get3A_9, %get3A_10] : memref<2x1024x128xf32, #tpu.memory_space<vmem>>, vector<1x1024x64xf32>
    %get3A_12 = vector.shape_cast %get3A_11 : vector<1x1024x64xf32> to vector<1024x64xf32>
    %get3A_13 = arith.constant 1 : index
    %get3A_14 = arith.constant 0 : index
    %get3A_15 = arith.constant 0 : index
    %get3A_16 = vector.load %arg1[%get3A_13, %get3A_14, %get3A_15] : memref<2x1024x128xf32, #tpu.memory_space<vmem>>, vector<1x1024x64xf32>
    %get3A_17 = vector.shape_cast %get3A_16 : vector<1x1024x64xf32> to vector<1024x64xf32>
    %add3A_18 = arith.addf %get3A_12, %get3A_17 : vector<1024x64xf32>
    %get3A_19 = arith.constant 0 : index
    %get3A_20 = arith.constant 0 : index
    %get3A_21 = vector.load %arg3[%get3A_19, %get3A_20] : memref<1024x128xf32, #tpu.memory_space<vmem>>, vector<1024x64xf32>
    %add3A_22 = arith.addf %add3A_18, %get3A_21 : vector<1024x64xf32>
    %broadcast_in_dim3A = vector.shape_cast %rsqrt3A : vector<1024xf32> to vector<1024x1xf32>
    %mul3A = vector.broadcast %broadcast_in_dim3A : vector<1024x1xf32> to vector<1024x64xf32>
    %mul3A_23 = arith.mulf %add3A_22, %mul3A : vector<1024x64xf32>
    %get3A_24 = arith.constant 0 : index
    %get3A_25 = arith.constant 0 : index
    %get3A_26 = vector.load %arg4[%get3A_24, %get3A_25] : memref<1x64xf32, #tpu.memory_space<vmem>>, vector<1x64xf32>
    %add3A_27 = vector.broadcast %get3A_26 : vector<1x64xf32> to vector<1024x64xf32>
    %add3A_28 = arith.addf %mul3A_23, %add3A_27 : vector<1024x64xf32>
    %get3A_29 = arith.constant 0 : index
    %get3A_30 = arith.constant 0 : index
    %get3A_31 = vector.load %arg5[%get3A_29, %get3A_30] : memref<1x64xf32, #tpu.memory_space<vmem>>, vector<1x64xf32>
    %get3A_32 = arith.constant 0 : index
    %get3A_33 = arith.constant 0 : index
    %get3A_34 = vector.load %arg6[%get3A_32, %get3A_33] : memref<1x64xf32, #tpu.memory_space<vmem>>, vector<1x64xf32>
    %get3A_35 = arith.constant 0 : index
    %get3A_36 = arith.constant 0 : index
    %get3A_37 = vector.load %arg7[%get3A_35, %get3A_36] : memref<1x64xf32, #tpu.memory_space<vmem>>, vector<1x64xf32>
    %get3A_38 = arith.constant 0 : index
    %get3A_39 = arith.constant 0 : index
    %get3A_40 = vector.load %arg8[%get3A_38, %get3A_39] : memref<1x64xf32, #tpu.memory_space<vmem>>, vector<1x64xf32>
    %sub3A = vector.broadcast %get3A_37 : vector<1x64xf32> to vector<1024x64xf32>
    %sub3A_41 = arith.subf %add3A_28, %sub3A : vector<1024x64xf32>
    %add3A_42 = arith.constant 9.99999974E-6 : f32
    %add3A_43 = vector.broadcast %add3A_42 : f32 to vector<1x64xf32>
    %add3A_44 = arith.addf %get3A_40, %add3A_43 : vector<1x64xf32>
    %rsqrt3A_45 = math.rsqrt %add3A_44 : vector<1x64xf32>
    %mul3A_46 = vector.broadcast %rsqrt3A_45 : vector<1x64xf32> to vector<1024x64xf32>
    %mul3A_47 = arith.mulf %sub3A_41, %mul3A_46 : vector<1024x64xf32>
    %mul3A_48 = vector.broadcast %get3A_31 : vector<1x64xf32> to vector<1024x64xf32>
    %mul3A_49 = arith.mulf %mul3A_47, %mul3A_48 : vector<1024x64xf32>
    %add3A_50 = vector.broadcast %get3A_34 : vector<1x64xf32> to vector<1024x64xf32>
    %add3A_51 = arith.addf %mul3A_49, %add3A_50 : vector<1024x64xf32>
    %max3A = arith.constant 0.000000e+00 : f32
    %max3A_52 = vector.broadcast %max3A : f32 to vector<1024x64xf32>
    %max3A_53 = arith.maximumf %add3A_51, %max3A_52 : vector<1024x64xf32>
    %get3A_54 = arith.constant 0 : index
    %get3A_55 = arith.constant 0 : index
    %get3A_56 = vector.load %arg9[%get3A_54, %get3A_55] : memref<64x64xf32, #tpu.memory_space<vmem>>, vector<64x64xf32>
    %dot_general3A = arith.constant dense<0.000000e+00> : vector<1024x64xf32>
    %dot_general3A_57 = tpu.matmul %max3A_53, %get3A_56, %dot_general3A {dimension_numbers = #tpu.dot_dimension_numbers<[1], [0], [0], [1], [0, 0, 1, 1], [], []>, transpose_lhs_hint = false} : vector<1024x64xf32>, vector<64x64xf32>, vector<1024x64xf32> -> vector<1024x64xf32>
    %broadcast_in_dim3A_58 = vector.shape_cast %rsqrt3A : vector<1024xf32> to vector<1024x1xf32>
    %mul3A_59 = vector.broadcast %broadcast_in_dim3A_58 : vector<1024x1xf32> to vector<1024x64xf32>
    %mul3A_60 = arith.mulf %dot_general3A_57, %mul3A_59 : vector<1024x64xf32>
    %broadcast_in_dim3A_61 = arith.constant 0.000000e+00 : f32
    %broadcast_in_dim3A_62 = vector.broadcast %broadcast_in_dim3A_61 : f32 to vector<1024x64xf32>
    %concatenate3A = tpu.concatenate %mul3A_60, %broadcast_in_dim3A_62 in 1 : vector<1024x64xf32>, vector<1024x64xf32> -> vector<1024x128xf32>
    %swap3A = arith.constant 0 : index
    %swap3A_63 = arith.constant 0 : index
    %swap3A_64 = vector.load %arg10[%swap3A, %swap3A_63] : memref<1024x128xf32, #tpu.memory_space<vmem>>, vector<1024x128xf32>
    tpu.vector_store %arg10[%swap3A, %swap3A_63], %concatenate3A {strides = array<i32>} : memref<1024x128xf32, #tpu.memory_space<vmem>>, vector<1024x128xf32>,
    return
  }
  func.func @transform_0(%arg0: i32) -> (i32, i32, i32) {
    %c0_i32 = arith.constant 0 : i32
    %c0_i32_0 = arith.constant 0 : i32
    %c0_i32_1 = arith.constant 0 : i32
    return %c0_i32, %arg0, %c0_i32_0 : i32, i32, i32
  }
  func.func @transform_1(%arg0: i32) -> (i32, i32, i32) {
    %c0_i32 = arith.constant 0 : i32
    %c0_i32_0 = arith.constant 0 : i32
    %c0_i32_1 = arith.constant 0 : i32
    return %c0_i32, %arg0, %c0_i32_0 : i32, i32, i32
  }
  func.func @transform_2(%arg0: i32) -> (i32, i32) {
    %c0_i32 = arith.constant 0 : i32
    %c0_i32_0 = arith.constant 0 : i32
    return %arg0, %c0_i32 : i32, i32
  }
  func.func @transform_3(%arg0: i32) -> (i32, i32) {
    %c0_i32 = arith.constant 0 : i32
    %c0_i32_0 = arith.constant 0 : i32
    %c0_i32_1 = arith.constant 0 : i32
    return %c0_i32, %c0_i32_0 : i32, i32
  }
  func.func @transform_4(%arg0: i32) -> (i32, i32) {
    %c0_i32 = arith.constant 0 : i32
    %c0_i32_0 = arith.constant 0 : i32
    %c0_i32_1 = arith.constant 0 : i32
    return %c0_i32, %c0_i32_0 : i32, i32
  }
  func.func @transform_5(%arg0: i32) -> (i32, i32) {
    %c0_i32 = arith.constant 0 : i32
    %c0_i32_0 = arith.constant 0 : i32
    %c0_i32_1 = arith.constant 0 : i32
    return %c0_i32, %c0_i32_0 : i32, i32
  }
  func.func @transform_6(%arg0: i32) -> (i32, i32) {
    %c0_i32 = arith.constant 0 : i32
    %c0_i32_0 = arith.constant 0 : i32
    %c0_i32_1 = arith.constant 0 : i32
    return %c0_i32, %c0_i32_0 : i32, i32
  }
  func.func @transform_7(%arg0: i32) -> (i32, i32) {
    %c0_i32 = arith.constant 0 : i32
    %c0_i32_0 = arith.constant 0 : i32
    %c0_i32_1 = arith.constant 0 : i32
    return %c0_i32, %c0_i32_0 : i32, i32
  }
  func.func @transform_8(%arg0: i32) -> (i32, i32) {
    %c0_i32 = arith.constant 0 : i32
    %c0_i32_0 = arith.constant 0 : i32
    %c0_i32_1 = arith.constant 0 : i32
    return %c0_i32, %c0_i32_0 : i32, i32
  }
  func.func @transform_9(%arg0: i32) -> (i32, i32) {
    %c0_i32 = arith.constant 0 : i32
    %c0_i32_0 = arith.constant 0 : i32
    return %arg0, %c0_i32 : i32, i32
  }
}

module attributes {stable_mosaic.version = 14 : i64} {
  func.func @body(%arg0: memref<32x65x64xf32, #tpu.memory_space<vmem>>, %arg1: memref<32x65x64xf32, #tpu.memory_space<vmem>>, %arg2: memref<80x128xi32, #tpu.memory_space<vmem>>, %arg3: memref<128x32xf32, #tpu.memory_space<vmem>>, %arg4: memref<1x32xf32, #tpu.memory_space<vmem>>, %arg5: memref<32x1xf32, #tpu.memory_space<vmem>>, %arg6: memref<1x1xf32, #tpu.memory_space<vmem>>, %arg7: memref<64x1xf32, #tpu.memory_space<vmem>>) attributes {dimension_semantics = [], scalar_prefetch = 0 : i64, scratch_operands = 0 : i64, tpu.core_type = #tpu.core_type<tc>} {
    %get3A = arith.constant 0 : index
    %get3A_0 = arith.constant 0 : index
    %get3A_1 = arith.constant 0 : index
    %get3A_2 = vector.load %arg0[%get3A, %get3A_0, %get3A_1] : memref<32x65x64xf32, #tpu.memory_space<vmem>>, vector<32x65x64xf32>
    %reduce_sum3A = arith.constant dense<0.000000e+00> : vector<65x64xf32>
    %reduce_sum3A_3 = vector.multi_reduction <add>, %get3A_2, %reduce_sum3A [0] : vector<32x65x64xf32> to vector<65x64xf32>
    %slice3A = vector.extract_strided_slice %reduce_sum3A_3 {offsets = [0, 0], sizes = [64, 64], strides = [1, 1]} : vector<65x64xf32> to vector<64x64xf32>
    %get3A_4 = arith.constant 0 : index
    %get3A_5 = arith.constant 0 : index
    %get3A_6 = arith.constant 0 : index
    %get3A_7 = vector.load %arg1[%get3A_4, %get3A_5, %get3A_6] : memref<32x65x64xf32, #tpu.memory_space<vmem>>, vector<32x65x64xf32>
    %reduce_max3A = arith.constant dense<0xFF800000> : vector<65x64xf32>
    %reduce_max3A_8 = vector.multi_reduction <maximumf>, %get3A_7, %reduce_max3A [0] : vector<32x65x64xf32> to vector<65x64xf32>
    %slice3A_9 = vector.extract_strided_slice %reduce_max3A_8 {offsets = [0, 0], sizes = [64, 64], strides = [1, 1]} : vector<65x64xf32> to vector<64x64xf32>
    %iota3A = tpu.iota {dimensions = array<i32: 0>} : vector<64x80x128xi32>
    %get3A_10 = arith.constant 0 : index
    %get3A_11 = arith.constant 0 : index
    %get3A_12 = vector.load %arg2[%get3A_10, %get3A_11] : memref<80x128xi32, #tpu.memory_space<vmem>>, vector<80x128xi32>
    %broadcast_in_dim3A = vector.shape_cast %get3A_12 : vector<80x128xi32> to vector<1x80x128xi32>
    %eq3A = vector.broadcast %broadcast_in_dim3A : vector<1x80x128xi32> to vector<64x80x128xi32>
    %eq3A_13 = arith.cmpi eq, %eq3A, %iota3A : vector<64x80x128xi32>
    %convert_element_type3A = arith.extui %eq3A_13 : vector<64x80x128xi1> to vector<64x80x128xi32>
    %convert_element_type3A_14 = arith.sitofp %convert_element_type3A : vector<64x80x128xi32> to vector<64x80x128xf32>
    %reduce_sum3A_15 = arith.constant dense<0.000000e+00> : vector<64xf32>
    %reduce_sum3A_16 = vector.multi_reduction <add>, %convert_element_type3A_14, %reduce_sum3A_15 [1, 2] : vector<64x80x128xf32> to vector<64xf32>
    %max3A = arith.constant 1.000000e+00 : f32
    %max3A_17 = vector.broadcast %max3A : f32 to vector<64xf32>
    %max3A_18 = arith.maximumf %reduce_sum3A_16, %max3A_17 : vector<64xf32>
    %broadcast_in_dim3A_19 = vector.shape_cast %max3A_18 : vector<64xf32> to vector<64x1xf32>
    %div3A = vector.broadcast %broadcast_in_dim3A_19 : vector<64x1xf32> to vector<64x64xf32>
    %div3A_20 = arith.divf %slice3A, %div3A : vector<64x64xf32>
    %concatenate3A = tpu.concatenate %div3A_20, %slice3A_9 in 1 : vector<64x64xf32>, vector<64x64xf32> -> vector<64x128xf32>
    %get3A_21 = arith.constant 0 : index
    %get3A_22 = arith.constant 0 : index
    %get3A_23 = vector.load %arg3[%get3A_21, %get3A_22] : memref<128x32xf32, #tpu.memory_space<vmem>>, vector<128x32xf32>
    %dot_general3A = arith.constant dense<0.000000e+00> : vector<64x32xf32>
    %dot_general3A_24 = tpu.matmul %concatenate3A, %get3A_23, %dot_general3A {dimension_numbers = #tpu.dot_dimension_numbers<[1], [0], [0], [1], [0, 0, 1, 1], [], []>, transpose_lhs_hint = false} : vector<64x128xf32>, vector<128x32xf32>, vector<64x32xf32> -> vector<64x32xf32>
    %get3A_25 = arith.constant 0 : index
    %get3A_26 = arith.constant 0 : index
    %get3A_27 = vector.load %arg4[%get3A_25, %get3A_26] : memref<1x32xf32, #tpu.memory_space<vmem>>, vector<1x32xf32>
    %add3A = vector.broadcast %get3A_27 : vector<1x32xf32> to vector<64x32xf32>
    %add3A_28 = arith.addf %dot_general3A_24, %add3A : vector<64x32xf32>
    %max3A_29 = arith.constant 0.000000e+00 : f32
    %max3A_30 = vector.broadcast %max3A_29 : f32 to vector<64x32xf32>
    %max3A_31 = arith.maximumf %add3A_28, %max3A_30 : vector<64x32xf32>
    %get3A_32 = arith.constant 0 : index
    %get3A_33 = arith.constant 0 : index
    %get3A_34 = vector.load %arg5[%get3A_32, %get3A_33] : memref<32x1xf32, #tpu.memory_space<vmem>>, vector<32x1xf32>
    %dot_general3A_35 = arith.constant dense<0.000000e+00> : vector<64x1xf32>
    %dot_general3A_36 = tpu.matmul %max3A_31, %get3A_34, %dot_general3A_35 {dimension_numbers = #tpu.dot_dimension_numbers<[1], [0], [0], [1], [0, 0, 1, 1], [], []>, transpose_lhs_hint = false} : vector<64x32xf32>, vector<32x1xf32>, vector<64x1xf32> -> vector<64x1xf32>
    %get3A_37 = arith.constant 0 : index
    %get3A_38 = arith.constant 0 : index
    %get3A_39 = vector.load %arg6[%get3A_37, %get3A_38] : memref<1x1xf32, #tpu.memory_space<vmem>>, vector<1x1xf32>
    %add3A_40 = vector.broadcast %get3A_39 : vector<1x1xf32> to vector<64x1xf32>
    %add3A_41 = arith.addf %dot_general3A_36, %add3A_40 : vector<64x1xf32>
    %swap3A = arith.constant 0 : index
    %swap3A_42 = arith.constant 0 : index
    %swap3A_43 = vector.load %arg7[%swap3A, %swap3A_42] : memref<64x1xf32, #tpu.memory_space<vmem>>, vector<64x1xf32>
    tpu.vector_store %arg7[%swap3A, %swap3A_42], %add3A_41 {strides = array<i32>} : memref<64x1xf32, #tpu.memory_space<vmem>>, vector<64x1xf32>,
    return
  }
}

</mosaic_0001>

<sc_bundles>
// kernel: kernel.11.cloned.1.call-start
scs
__scs_entry_jumppad:
0x0: {  	(pc) =	sbr.rel $0x88, $3  }
0x1: {  	(tag) =	ssettag $0x0;
	lr =	simm.s32 $0x1  }
0x2: {  	[smem:$0x3F8E] =	sst lr;
	_ =	strace $0xD0000000  }
0x3: {  	_ = 	snop  }
0x4: {  	_ = 	snop  }
0x5: {  	_ = 	snop  }
0x6: {  	_ = 	snop  }
0x7: {  	_ = 	snop  }
__scs_overlays_trampoline_lowered:
0x8: {  	[smem:$0x3F9D] =	sst s0  }
0x9: {  	[smem:$0x3F9E] =	sst s1  }
0xa: {  	[smem:$0x3F9F] =	sst s2  }
0xb: {  	[smem:$0x3FA0] =	sst s3  }
0xc: {  	[smem:$0x3FA1] =	sst s4  }
0xd: {  	[smem:$0x3FA2] =	sst s5  }
0xe: {  	[smem:$0x3FA3] =	sst s6  }
0xf: {  	[smem:$0x3FA4] =	sst s7  }
0x10: {  	[smem:$0x3FA5] =	sst s8  }
0x11: {  	[smem:$0x3FA6] =	sst s9;
	s0 =	simm.s32 @!p0 $0x0  }
0x12: {  	s1 =	sld [smem:$0x3F8C];
	s0 =	simm.s32 @p0 $0x1  }
0x13: {  	[smem:$0x3FA7] =	sst s0;
	s0 =	simm.s32 @!p1 $0x0  }
0x14: {  	s2 =	sld [smem:$0x3F8B];
	s0 =	simm.s32 @p1 $0x1  }
0x15: {  	[smem:$0x3FA8] =	sst s0;
	s0 =	simm.s32 @!p2 $0x0  }
0x16: {  	s3 =	sld [smem:$0x3FDB];
	s0 =	simm.s32 @p2 $0x1  }
0x17: {  	s4 =	simm.s32 $0x1BF5;
	[smem:$0x3FAA] =	sst s0  }
0x18: {  	s0 =	sld [smem:$0x3F8D];
	_ =	swait.ge [sflag:s4], $0x0  }
0x19: {  	s7 =	sld [smem:$0x3F8E]  }
0x1a: {  	s8 =	sadd.s32 $0xFFFFE003, lr  }
0x1b: {  	s9 =	sadd.s32 $0xFFFFFEF7, lr;
	s5 =	simm.s32 $0xFFFFFFFF;
	p2 =	slt.u32 s8, $0xFFFFF086  }
0x1c: {  	p1 =	slt.u32 s9, $0xF7A;
	s5 =	simm.s32 @!p2 $0x0  }
0x1d: {  	s5 =	simm.s32 @p1 $0x1;
	p0 =	seq.s32 s7, s2  }
0x1e: {  	s7 =	smul.u32 @!p0 $0xF7A, s2;
	p2 =	seq.s32 @!p0 s5, $0x0  }
0x1f: {  	s9 =	smul.u32 $0xF7A, s1;
	s8 =	simm.s32 @!p0 $0x1BF5;
	p2 =	por !p2, p0  }
0x20: {  	[sflag:s8] =	ssyncset.s32 @!p0 $0xFFFFF086;
	s6 =	sadd.s32 @!p0 s3, s7;
	s7 =	simm.s32 @!p0 $0x108  }
0x21: {  	s3 =	sadd.s32 s3, s9;
	s6 =	sadd.s32 @!p0 $0x88, s6;
	s7 =	simm.s32 @p2 $0x1082  }
0x22: {  	[simem:s7], [sflag:s8] =	dma.local @!p0 [hbm:s6], $0xF7A  }
0x23: {  	s9 =	sor.u32 $0xD0000000, s2;
	s6 =	simm.s32 $0x108;
	_ =	swait.ge @!p0 [sflag:s8], $0x0  }
0x24: {  	s3 =	sadd.s32 $0x88, s3;
	s6 =	simm.s32 @!p1 $0x1082;
	[sflag:s4] =	ssyncset.s32 $0xFFFFF086  }
0x25: {  	[simem:s6], [sflag:s4] =	dma.local [hbm:s3], $0xF7A  }
0x26: {  	[smem:$0x3F8E] =	sst s1;
	(tag) =	ssettag s2;
	_ =	strace s9  }
0x27: {  	s1 =	sld [smem:$0x3F9E]  }
0x28: {  	s2 =	sld [smem:$0x3F9F]  }
0x29: {  	s4 =	sld [smem:$0x3FA1]  }
0x2a: {  	p0 =	seq.s32 s5, $0x0;
	s5 =	sld [smem:$0x3FA2]  }
0x2b: {  	s6 =	sld [smem:$0x3FA3]  }
0x2c: {  	s7 =	sld [smem:$0x3FA4]  }
0x2d: {  	s3 =	simm.s32 $0x108;
	s8 =	sld [smem:$0x3FA5]  }
0x2e: {  	s3 =	simm.s32 @!p0 $0x1082;
	s9 =	sld [smem:$0x3FA6]  }
0x2f: {  	lr =	sadd.s32 s0, s3;
	s0 =	sld [smem:$0x3F9D]  }
0x30: {  	s3 =	sld [smem:$0x3FA0]  }
0x31: {  	[smem:$0x3FA9] =	sst s10  }
0x32: {  	s10 =	sld [smem:$0x3FA7];
	_ =	sdelay $0x3  }
0x33: {  	p0 =	seq.s32 s10, $0x1;
	s10 =	sld [smem:$0x3FA9];
	_ =	sdelay $0x3  }
0x34: {  	[smem:$0x3FA9] =	sst s10  }
0x35: {  	s10 =	sld [smem:$0x3FA8];
	_ =	sdelay $0x3  }
0x36: {  	p1 =	seq.s32 s10, $0x1;
	s10 =	sld [smem:$0x3FA9];
	_ =	sdelay $0x3  }
0x37: {  	[smem:$0x3FA9] =	sst s10  }
0x38: {  	s10 =	sld [smem:$0x3FAA]  }
0x39: {  	_ = 	snop;
	(pc) =	sbr.ind lr, $3  }
0x3a: {  	_ = 	snop  }
0x3b: {  	_ = 	snop  }
0x3c: {  	p2 =	seq.s32 s10, $0x1;
	s10 =	sld [smem:$0x3FA9]  }
0x3d: {  	_ =	shalt  }
0x3e: {  	_ =	shalt  }
0x3f: {  	_ =	shalt  }
0x40: {  	_ =	shalt  }
0x41: {  	_ =	shalt  }
0x42: {  	_ =	shalt  }
0x43: {  	_ =	shalt  }
0x44: {  	_ =	shalt  }
0x45: {  	_ =	shalt  }
0x46: {  	_ =	shalt  }
0x47: {  	_ =	shalt  }
0x48: {  	_ =	shalt  }
0x49: {  	_ =	shalt  }
0x4a: {  	_ =	shalt  }
0x4b: {  	_ =	shalt  }
0x4c: {  	_ =	shalt  }
0x4d: {  	_ =	shalt  }
0x4e: {  	_ =	shalt  }
0x4f: {  	_ =	shalt  }
0x50: {  	_ =	shalt  }
0x51: {  	_ =	shalt  }
0x52: {  	_ =	shalt  }
0x53: {  	_ =	shalt  }
0x54: {  	_ =	shalt  }
0x55: {  	_ =	shalt  }
0x56: {  	_ =	shalt  }
0x57: {  	_ =	shalt  }
0x58: {  	_ =	shalt  }
0x59: {  	_ =	shalt  }
0x5a: {  	_ =	shalt  }
0x5b: {  	_ =	shalt  }
0x5c: {  	_ =	shalt  }
0x5d: {  	_ =	shalt  }
0x5e: {  	_ =	shalt  }
0x5f: {  	_ =	shalt  }
0x60: {  	_ =	shalt  }
0x61: {  	_ =	shalt  }
0x62: {  	_ =	shalt  }
0x63: {  	_ =	shalt  }
0x64: {  	_ =	shalt  }
0x65: {  	_ =	shalt  }
0x66: {  	_ =	shalt  }
0x67: {  	_ =	shalt  }
0x68: {  	_ =	shalt  }
0x69: {  	_ =	shalt  }
0x6a: {  	_ =	shalt  }
0x6b: {  	_ =	shalt  }
0x6c: {  	_ =	shalt  }
0x6d: {  	_ =	shalt  }
0x6e: {  	_ =	shalt  }
0x6f: {  	_ =	shalt  }
0x70: {  	_ =	shalt  }
0x71: {  	_ =	shalt  }
0x72: {  	_ =	shalt  }
0x73: {  	_ =	shalt  }
0x74: {  	_ =	shalt  }
0x75: {  	_ =	shalt  }
0x76: {  	_ =	shalt  }
0x77: {  	_ =	shalt  }
0x78: {  	_ =	shalt  }
0x79: {  	_ =	shalt  }
0x7a: {  	_ =	shalt  }
0x7b: {  	_ =	shalt  }
0x7c: {  	_ =	shalt  }
0x7d: {  	_ =	shalt  }
0x7e: {  	_ =	shalt  }
0x7f: {  	_ =	shalt  }
0x80: {  	_ =	shalt  }
0x81: {  	_ =	shalt  }
0x82: {  	_ =	shalt  }
0x83: {  	_ =	shalt  }
0x84: {  	_ =	shalt  }
0x85: {  	_ =	shalt  }
0x86: {  	_ =	shalt  }
0x87: {  	_ =	shalt  }
.Lfunc_end0:
.L_simem_size_0:
called_computation_lowered:
.L_overlay_start_0:
0x88: {  	s2 =	sld [smem:$0x3FD9]  }
0x89: {  	s3 =	sld [smem:$0x3FFE];
	_ =	sdelay $0x1  }
0x8a: {  	s1 =	srdreg.scid  }
0x8b: {  	s0 =	sand.u32 $0x1, s1  }
0x8c: {  	s16 =	sshll.u32 s0, $0xA;
	s2 =	sadd.s32 s3, s2  }
0x8d: {  	s2 =	sadd.s32 s2, s16  }
0x8e: {  	[smem:$0x3FB5] =	sst s2  }
0x8f: {  	_ = 	snop  }
0x90: {  	(tm) =	ssettm $0x1  }
0x91: {  	s17 =	sld [smem:$0x3FFB];
	_ =	sdelay $0x3  }
0x92: {  	_ =	strace s17  }
0x93: {  	s2 =	sld [smem:$0x3FFC];
	_ =	sdelay $0x3  }
0x94: {  	_ =	strace s2  }
0x95: {  	s2 =	sld [smem:$0x3FFD];
	_ =	sdelay $0x3  }
0x96: {  	_ =	strace s2  }
0x97: {  	_ =	strace $0x8FFFFFFF  }
0x98: {  	s18 =	sld [smem:$0x3FDB];
	_ =	sdelay $0x1  }
0x99: {  	s19 =	simm.s32 $_scs_section_size  }
0x9a: {  	s4 =	simm.s32 $_size__tile_overlayer_lowered;
	s5 =	simm.s32 $_tile_overlayer_lowered  }
0x9b: {  	s22 =	simm.s32 $0x1BFF;
	s21 =	sshll.u32 s5, $0x1;
	s2 =	sadd.s32 s19, s18  }
0x9c: {  	s6 =	simm.s32 $0x0;
	s20 =	sshll.u32 s4, $0x1;
	s4 =	sadd.s32 s21, s2  }
0x9d: {  	[timem:s6], [sflag:s22] =	dma.local [hbm:s4], s20  }
0x9e: {  	_ =	swait.ge [sflag:s22], s20  }
0x9f: {  	s3 =	ssub.s32 $0x0, s20;
	[sflag:s22] =	ssyncset.done $0x0  }
0xa0: {  	[sflag:s22] =	ssyncadd.s32 s3;
	_ =	sdelay $0x1  }
0xa1: {  	s23 =	simm.s32 $0x1B8B  }
0xa2: {  	_ =	swait.ge [sflag:s23], $0x1  }
0xa3: {  	[sflag:s23] =	ssyncset.done $0x0  }
0xa4: {  	s25 =	simm.s32 $0x1B8E;
	s24 =	sld [smem:$0x3FFE];
	[sflag:s23] =	ssyncadd.s32 $0xFFFFFFFF  }
0xa5: {  	s26 =	simm.s32 $execute0_lowered;
	[smem:$0x3FD2] =	sst s25  }
0xa6: {  	s4 =	sshll.u32 s26, $0x1;
	_ =	strace $0x80000046;
	[dreg:$0x1] =	wrdreg $0xFFFFFFFF  }
0xa7: {  	s28 =	simm.s32 $_size_execute0_lowered;
	s2 =	sadd.s32 s2, s4;
	[dreg:$0x0] =	wrdreg $0x0  }
0xa8: {  	s4 =	sshll.u32 s28, $0x1;
	[dreg:$0x2] =	wrdreg s2  }
0xa9: {  	[dreg:$0x3] =	wrdreg s4  }
0xaa: {  	[dreg:$0x4] =	wrdreg $0xC0  }
0xab: {  	_ =	task [dreg:s6], $0x5FFFF  }
0xac: {  	[dreg:$0x1] =	wrdreg $0xFFFFFFFF  }
0xad: {  	[dreg:$0x0] =	wrdreg $0x60  }
0xae: {  	[dreg:$0x2] =	wrdreg s24  }
0xaf: {  	[dreg:$0x3] =	wrdreg $0x2C000  }
0xb0: {  	[dreg:$0x4] =	wrdreg $0x9  }
0xb1: {  	_ =	task.clear_ibuf [dreg:s6], $0x5FFFF;
	_ =	strace $0x90000046  }
0xb2: {  	s29 =	simm.s32 $0x9;
	_ =	strace $0x80000048  }
0xb3: {  	_ =	swait.ge [sflag:s29], $0x1  }
0xb4: {  	[sflag:s29] =	ssyncadd.s32 $0xFFFFFFFF  }
0xb5: {  	_ =	strace $0x90000048  }
0xb6: {  	_ =	sfence  }
0xb7: {  	s30 =	sld [smem:$0x0];
	_ =	sdelay $0x2  }
0xb8: {  	s31 =	sshll.u32 s1, $0xD;
	s1 =	sshrl.u32 s1, $0x2  }
0xb9: {  	s3 =	sand.u32 $0x4000, s31;
	s1 =	sadd.s32 s1, s30  }
0xba: {  	s0 =	sor.u32 s3, s0;
	s1 =	sshll.u32 s1, $0x11  }
0xbb: {  	s0 =	sor.u32 s1, s0  }
0xbc: {  	s0 =	sadd.s32 $0x8F2B, s0  }
0xbd: {  	[sflag:s0] =	ssyncadd.remote.s32 $0x1  }
0xbe: {  	_ =	sfence.sel $0xFFFF  }
0xbf: {  	[dreg:$0x0] =	wrdreg $0xFFFFFFFF;
	(pc) =	sbr.abs _section_cstart, $3  }
0xc0: {  	[dreg:$0x1] =	wrdreg $0xFFFFFFFF  }
0xc1: {  	_ =	task.clear_ibuf [dreg:s6], $0x2FFFF;
	_ =	strace $0x9FFFFFFF  }
0xc2: {  	(tm) =	ssettm $0x7FFFFFFF  }
0xc3: {  	_ =	shalt  }
tec
execute0_lowered:
.L_overlay_start_1:
0x0: {  	(tag) =	ssettag $0x1  }
0x1: {  	s6 =	rddreg [dreg:$0x0]  }
0x2: {  	s2 =	rddreg [dreg:$0x1]  }
0x3: {  	s0 =	rddreg [dreg:$0x2];
	s1 =	stileid.u32  }
0x4: {  	s4 =	srdreg.scid;
	s3 =	simm.s32 $0x0;
	s13 =	simm.s32 $0x80  }
0x5: {  	s14 =	simm.s32 $0x0;
	s5 =	smul.u32 $0x1400, s1;
	s4 =	sand.u32 $0x1, s4  }
0x6: {  	[smem:$0x7FF] =	sst s3;
	s31 =	sshll.u32 s1, $0x6;
	s7 =	smul.u32 $0x14000, s4  }
0x7: {  	_ =	strace $0x80000047;
	s9 =	sshll.u32 s4, $0x4;
	s10 =	ssub.s32 $0x2, s4  }
0x8: {  	s4 =	sadd.s32 $0x1BA00, s6;
	s8 =	sshrl.u32 s5, $0x3;
	s9 =	sor.u32 s1, s9  }
0x9: {  	s29 =	sshrl.u32 s10, $0x1;
	s12 =	sadd.s32 s5, s2;
	s7 =	sadd.s32 s5, s7  }
0xa: {  	s8 =	sadd.s32 s8, s6;
	s9 =	smul.u32 $0x2800, s9;
	s7 =	sshrl.u32 s7, $0x3  }
0xb: {  	s10 =	ssub.s32 s10, s29;
	s5 =	sadd.s32 $0x19200, s8;
	s11 =	sadd.s32 s7, s6  }
0xc: {  	s30 =	sshrl.u32 s9, $0x3;
	s9 =	smax.u32 s10, $0x1;
	s10 =	sshrl.u32 s12, $0x3  }
0xd: {  	s12 =	simm.s32 $0x2800;
	s7 =	sadd.s32 s6, s30;
	s6 =	sor.u32 $0x1C01, s31  }
0xe: {  	s8 =	sadd.s32 $0x1BC00, s11;
	s11 =	simm.s32 $0x1;
	s7 =	sadd.s32 $0xF200, s7  }
.LBB2_1:
0xf: {  	[spmem:s10], [sflag:s6] =	dma.local [hbm:s5], $0x280  }
0x10: {  	_ =	swait.ge [sflag:s11], $0x280  }
0x11: {  	[sflag:s11] =	ssyncset.done $0x0  }
0x12: {  	[sflag:s11] =	ssyncadd.s32 $0xFFFFFD80  }
0x13: {  	[tilespmem:s12], [sflag:$0x1] =	stream.linear.gather [hbm4b:s4+s3], $0x400, $0x38;
	[tilespmem:$0x4000] =	vst v63  }
0x14: {  	_ =	swait.ge [sflag:s11], $0x400  }
0x15: {  	[sflag:s11] =	ssyncset.done $0x0  }
0x16: {  	[sflag:s11] =	ssyncadd.s32 $0xFFFFFC00  }
0x17: {  	[tilespmem:s3], [sflag:$0x1] =	stream.linear.gather [hbm4b:s7+s3], $0x2800, $0x38;
	[tilespmem:$0x4000] =	vst v63  }
0x18: {  	_ =	swait.ge [sflag:s11], $0x2800  }
0x19: {  	[sflag:s11] =	ssyncset.done $0x0  }
0x1a: {  	[sflag:s11] =	ssyncadd.s32 $0xFFFFD800  }
0x1b: {  	s15 =	simm.s32 $0x0;
	[bflag:$0x0] =	sbarrier.arrive $0xFFFF  }
0x1c: {  	[spmem:s2] =	stream.indirect.scatter.add.f32 [tilespmem:s12], [sflag:$0x1], $0x8, s15, s13, $0xb8;
	[tilespmem:$0x4000] =	vst v63  }
0x1d: {  	_ =	swait.ge [sflag:s11], $0x400  }
0x1e: {  	s15 =	simm.s32 $0x200;
	[sflag:s11] =	ssyncset.done $0x0  }
.LBB2_2:
0x1f: {  	s16 =	sshra.s32 s15, $0x2;
	[sflag:s11] =	ssyncadd.s32 $0xFFFFFC00;
	p0 =	sne.s32 s15, $0x9E00  }
0x20: {  	[spmem:s2] =	stream.indirect.scatter.add.f32 [tilespmem:s12], [sflag:$0x1], $0x8, s16, s13, $0xb8;
	[tilespmem:$0x4000] =	vst v63  }
.Ltmp0:
0x21: {  	_ = 	snop;
	(pc) =	sbr.rel @p0 .LBB2_2-.Ltmp0, $4  }
0x22: {  	_ = 	snop  }
0x23: {  	s15 =	sadd.s32 $0x200, s15  }
0x24: {  	_ =	swait.ge [sflag:s11], $0x400  }
0x25: {  	[sflag:s11] =	ssyncset.done $0x0  }
0x26: {  	s14 =	sadd.s32 $0x1, s14  }
0x27: {  	[sflag:s11] =	ssyncadd.s32 $0xFFFFFC00;
	p0 =	sne.s32 s14, s9  }
.Ltmp1:
0x28: {  	[bflag:$0x0] =	sbarrier.arrive $0xFFFF;
	(pc) =	sbr.rel @p0 .LBB2_1-.Ltmp1, $4  }
0x29: {  	[hbm:s8], [sflag:s6] =	dma.local [spmem:s10], $0x280  }
0x2a: {  	_ =	swait.ge [sflag:s11], $0x280  }
0x2b: {  	[sflag:s11] =	ssyncset.done $0x0  }
0x2c: {  	[sflag:s11] =	ssyncadd.s32 $0xFFFFFD80  }
0x2d: {  	_ =	sfence.sel $0x180000  }
0x2e: {  	[bflag:$0x0] =	sbarrier.arrive $0xFFFF  }
0x2f: {  	p0 =	sne.s32 s1, $0x0;
	_ =	strace $0x90000047  }
0x30: {  	s0 =	sadd.s32 @!p0 $0x100000, s0;
	[bflag:$0x2] =	sbarrier.arrive $0xFFFF  }
0x31: {  	[sflag:s0] =	ssyncadd.tile.s32 @!p0 $0x1;
	_ =	shalt  }
.Lfunc_end2:
_tile_overlayer_lowered:
.L_overlay_start_2:
0x32: {  	(tag) =	ssettag $0x2  }
0x33: {  	s0 =	rddreg [dreg:$0x0];
	s2 =	stileid.u32  }
0x34: {  	s1 =	rddreg [dreg:$0x1];
	p0 =	sne.s32 s2, $0x0  }
0x35: {  	s3 =	rddreg [dreg:$0x2];
	[bflag:$0x3] =	sbarrier.arrive $0xFFFF;
	s2 =	simm.s32 @!p0 $0x1C01  }
0x36: {  	[timem:s3], [sflag:s2] =	dma.local @!p0 [hbm:s0], s1  }
0x37: {  	s0 =	simm.s32 @!p0 $0x1  }
0x38: {  	_ =	swait.ge @!p0 [sflag:s0], s1  }
0x39: {  	s1 =	ssub.s32 @!p0 $0x0, s1;
	[sflag:s0] =	ssyncset.done @!p0 $0x0  }
0x3a: {  	[sflag:s0] =	ssyncadd.s32 @!p0 s1  }
0x3b: {  	[bflag:$0x3] =	sbarrier.arrive $0xFFFF  }
0x3c: {  	_ =	shalt  }

// kernel: kernel.14.cloned.1.call-start
scs
__scs_entry_jumppad:
0x0: {  	(pc) =	sbr.rel $0x88, $3  }
0x1: {  	(tag) =	ssettag $0x0;
	lr =	simm.s32 $0x1  }
0x2: {  	[smem:$0x3F8E] =	sst lr;
	_ =	strace $0xD0000000  }
0x3: {  	_ = 	snop  }
0x4: {  	_ = 	snop  }
0x5: {  	_ = 	snop  }
0x6: {  	_ = 	snop  }
0x7: {  	_ = 	snop  }
__scs_overlays_trampoline_lowered:
0x8: {  	[smem:$0x3F9D] =	sst s0  }
0x9: {  	[smem:$0x3F9E] =	sst s1  }
0xa: {  	[smem:$0x3F9F] =	sst s2  }
0xb: {  	[smem:$0x3FA0] =	sst s3  }
0xc: {  	[smem:$0x3FA1] =	sst s4  }
0xd: {  	[smem:$0x3FA2] =	sst s5  }
0xe: {  	[smem:$0x3FA3] =	sst s6  }
0xf: {  	[smem:$0x3FA4] =	sst s7  }
0x10: {  	[smem:$0x3FA5] =	sst s8  }
0x11: {  	[smem:$0x3FA6] =	sst s9;
	s0 =	simm.s32 @!p0 $0x0  }
0x12: {  	s1 =	sld [smem:$0x3F8C];
	s0 =	simm.s32 @p0 $0x1  }
0x13: {  	[smem:$0x3FA7] =	sst s0;
	s0 =	simm.s32 @!p1 $0x0  }
0x14: {  	s2 =	sld [smem:$0x3F8B];
	s0 =	simm.s32 @p1 $0x1  }
0x15: {  	[smem:$0x3FA8] =	sst s0;
	s0 =	simm.s32 @!p2 $0x0  }
0x16: {  	s3 =	sld [smem:$0x3FDB];
	s0 =	simm.s32 @p2 $0x1  }
0x17: {  	s4 =	simm.s32 $0x1BF5;
	[smem:$0x3FAA] =	sst s0  }
0x18: {  	s0 =	sld [smem:$0x3F8D];
	_ =	swait.ge [sflag:s4], $0x0  }
0x19: {  	s7 =	sld [smem:$0x3F8E]  }
0x1a: {  	s8 =	sadd.s32 $0xFFFFE003, lr  }
0x1b: {  	s9 =	sadd.s32 $0xFFFFFEF7, lr;
	s5 =	simm.s32 $0xFFFFFFFF;
	p2 =	slt.u32 s8, $0xFFFFF086  }
0x1c: {  	p1 =	slt.u32 s9, $0xF7A;
	s5 =	simm.s32 @!p2 $0x0  }
0x1d: {  	s5 =	simm.s32 @p1 $0x1;
	p0 =	seq.s32 s7, s2  }
0x1e: {  	s7 =	smul.u32 @!p0 $0xF7A, s2;
	p2 =	seq.s32 @!p0 s5, $0x0  }
0x1f: {  	s9 =	smul.u32 $0xF7A, s1;
	s8 =	simm.s32 @!p0 $0x1BF5;
	p2 =	por !p2, p0  }
0x20: {  	[sflag:s8] =	ssyncset.s32 @!p0 $0xFFFFF086;
	s6 =	sadd.s32 @!p0 s3, s7;
	s7 =	simm.s32 @!p0 $0x108  }
0x21: {  	s3 =	sadd.s32 s3, s9;
	s6 =	sadd.s32 @!p0 $0x88, s6;
	s7 =	simm.s32 @p2 $0x1082  }
0x22: {  	[simem:s7], [sflag:s8] =	dma.local @!p0 [hbm:s6], $0xF7A  }
0x23: {  	s9 =	sor.u32 $0xD0000000, s2;
	s6 =	simm.s32 $0x108;
	_ =	swait.ge @!p0 [sflag:s8], $0x0  }
0x24: {  	s3 =	sadd.s32 $0x88, s3;
	s6 =	simm.s32 @!p1 $0x1082;
	[sflag:s4] =	ssyncset.s32 $0xFFFFF086  }
0x25: {  	[simem:s6], [sflag:s4] =	dma.local [hbm:s3], $0xF7A  }
0x26: {  	[smem:$0x3F8E] =	sst s1;
	(tag) =	ssettag s2;
	_ =	strace s9  }
0x27: {  	s1 =	sld [smem:$0x3F9E]  }
0x28: {  	s2 =	sld [smem:$0x3F9F]  }
0x29: {  	s4 =	sld [smem:$0x3FA1]  }
0x2a: {  	p0 =	seq.s32 s5, $0x0;
	s5 =	sld [smem:$0x3FA2]  }
0x2b: {  	s6 =	sld [smem:$0x3FA3]  }
0x2c: {  	s7 =	sld [smem:$0x3FA4]  }
0x2d: {  	s3 =	simm.s32 $0x108;
	s8 =	sld [smem:$0x3FA5]  }
0x2e: {  	s3 =	simm.s32 @!p0 $0x1082;
	s9 =	sld [smem:$0x3FA6]  }
0x2f: {  	lr =	sadd.s32 s0, s3;
	s0 =	sld [smem:$0x3F9D]  }
0x30: {  	s3 =	sld [smem:$0x3FA0]  }
0x31: {  	[smem:$0x3FA9] =	sst s10  }
0x32: {  	s10 =	sld [smem:$0x3FA7];
	_ =	sdelay $0x3  }
0x33: {  	p0 =	seq.s32 s10, $0x1;
	s10 =	sld [smem:$0x3FA9];
	_ =	sdelay $0x3  }
0x34: {  	[smem:$0x3FA9] =	sst s10  }
0x35: {  	s10 =	sld [smem:$0x3FA8];
	_ =	sdelay $0x3  }
0x36: {  	p1 =	seq.s32 s10, $0x1;
	s10 =	sld [smem:$0x3FA9];
	_ =	sdelay $0x3  }
0x37: {  	[smem:$0x3FA9] =	sst s10  }
0x38: {  	s10 =	sld [smem:$0x3FAA]  }
0x39: {  	_ = 	snop;
	(pc) =	sbr.ind lr, $3  }
0x3a: {  	_ = 	snop  }
0x3b: {  	_ = 	snop  }
0x3c: {  	p2 =	seq.s32 s10, $0x1;
	s10 =	sld [smem:$0x3FA9]  }
0x3d: {  	_ =	shalt  }
0x3e: {  	_ =	shalt  }
0x3f: {  	_ =	shalt  }
0x40: {  	_ =	shalt  }
0x41: {  	_ =	shalt  }
0x42: {  	_ =	shalt  }
0x43: {  	_ =	shalt  }
0x44: {  	_ =	shalt  }
0x45: {  	_ =	shalt  }
0x46: {  	_ =	shalt  }
0x47: {  	_ =	shalt  }
0x48: {  	_ =	shalt  }
0x49: {  	_ =	shalt  }
0x4a: {  	_ =	shalt  }
0x4b: {  	_ =	shalt  }
0x4c: {  	_ =	shalt  }
0x4d: {  	_ =	shalt  }
0x4e: {  	_ =	shalt  }
0x4f: {  	_ =	shalt  }
0x50: {  	_ =	shalt  }
0x51: {  	_ =	shalt  }
0x52: {  	_ =	shalt  }
0x53: {  	_ =	shalt  }
0x54: {  	_ =	shalt  }
0x55: {  	_ =	shalt  }
0x56: {  	_ =	shalt  }
0x57: {  	_ =	shalt  }
0x58: {  	_ =	shalt  }
0x59: {  	_ =	shalt  }
0x5a: {  	_ =	shalt  }
0x5b: {  	_ =	shalt  }
0x5c: {  	_ =	shalt  }
0x5d: {  	_ =	shalt  }
0x5e: {  	_ =	shalt  }
0x5f: {  	_ =	shalt  }
0x60: {  	_ =	shalt  }
0x61: {  	_ =	shalt  }
0x62: {  	_ =	shalt  }
0x63: {  	_ =	shalt  }
0x64: {  	_ =	shalt  }
0x65: {  	_ =	shalt  }
0x66: {  	_ =	shalt  }
0x67: {  	_ =	shalt  }
0x68: {  	_ =	shalt  }
0x69: {  	_ =	shalt  }
0x6a: {  	_ =	shalt  }
0x6b: {  	_ =	shalt  }
0x6c: {  	_ =	shalt  }
0x6d: {  	_ =	shalt  }
0x6e: {  	_ =	shalt  }
0x6f: {  	_ =	shalt  }
0x70: {  	_ =	shalt  }
0x71: {  	_ =	shalt  }
0x72: {  	_ =	shalt  }
0x73: {  	_ =	shalt  }
0x74: {  	_ =	shalt  }
0x75: {  	_ =	shalt  }
0x76: {  	_ =	shalt  }
0x77: {  	_ =	shalt  }
0x78: {  	_ =	shalt  }
0x79: {  	_ =	shalt  }
0x7a: {  	_ =	shalt  }
0x7b: {  	_ =	shalt  }
0x7c: {  	_ =	shalt  }
0x7d: {  	_ =	shalt  }
0x7e: {  	_ =	shalt  }
0x7f: {  	_ =	shalt  }
0x80: {  	_ =	shalt  }
0x81: {  	_ =	shalt  }
0x82: {  	_ =	shalt  }
0x83: {  	_ =	shalt  }
0x84: {  	_ =	shalt  }
0x85: {  	_ =	shalt  }
0x86: {  	_ =	shalt  }
0x87: {  	_ =	shalt  }
.Lfunc_end0:
.L_simem_size_0:
called_computation.1_lowered:
.L_overlay_start_0:
0x88: {  	s2 =	sld [smem:$0x3FD9]  }
0x89: {  	s3 =	sld [smem:$0x3FFE];
	_ =	sdelay $0x1  }
0x8a: {  	s1 =	srdreg.scid  }
0x8b: {  	s0 =	sand.u32 $0x1, s1  }
0x8c: {  	s16 =	sshll.u32 s0, $0xA;
	s2 =	sadd.s32 s3, s2  }
0x8d: {  	s2 =	sadd.s32 s2, s16  }
0x8e: {  	[smem:$0x3FB5] =	sst s2  }
0x8f: {  	_ = 	snop  }
0x90: {  	(tm) =	ssettm $0x1  }
0x91: {  	s17 =	sld [smem:$0x3FFB];
	_ =	sdelay $0x3  }
0x92: {  	_ =	strace s17  }
0x93: {  	s2 =	sld [smem:$0x3FFC];
	_ =	sdelay $0x3  }
0x94: {  	_ =	strace s2  }
0x95: {  	s2 =	sld [smem:$0x3FFD];
	_ =	sdelay $0x3  }
0x96: {  	_ =	strace s2  }
0x97: {  	_ =	strace $0x8FFFFFFF  }
0x98: {  	s18 =	sld [smem:$0x3FDB];
	_ =	sdelay $0x1  }
0x99: {  	s19 =	simm.s32 $_scs_section_size  }
0x9a: {  	s4 =	simm.s32 $_size__tile_overlayer_lowered;
	s5 =	simm.s32 $_tile_overlayer_lowered  }
0x9b: {  	s22 =	simm.s32 $0x1BFF;
	s21 =	sshll.u32 s5, $0x1;
	s2 =	sadd.s32 s19, s18  }
0x9c: {  	s6 =	simm.s32 $0x0;
	s20 =	sshll.u32 s4, $0x1;
	s4 =	sadd.s32 s21, s2  }
0x9d: {  	[timem:s6], [sflag:s22] =	dma.local [hbm:s4], s20  }
0x9e: {  	_ =	swait.ge [sflag:s22], s20  }
0x9f: {  	s3 =	ssub.s32 $0x0, s20;
	[sflag:s22] =	ssyncset.done $0x0  }
0xa0: {  	[sflag:s22] =	ssyncadd.s32 s3;
	_ =	sdelay $0x1  }
0xa1: {  	s23 =	simm.s32 $0x1B8B  }
0xa2: {  	_ =	swait.ge [sflag:s23], $0x1  }
0xa3: {  	[sflag:s23] =	ssyncset.done $0x0  }
0xa4: {  	s25 =	simm.s32 $0x1B8E;
	s24 =	sld [smem:$0x3FFE];
	[sflag:s23] =	ssyncadd.s32 $0xFFFFFFFF  }
0xa5: {  	s26 =	simm.s32 $execute0_lowered;
	[smem:$0x3FD2] =	sst s25  }
0xa6: {  	s4 =	sshll.u32 s26, $0x1;
	_ =	strace $0x80000049;
	[dreg:$0x1] =	wrdreg $0xFFFFFFFF  }
0xa7: {  	s28 =	simm.s32 $_size_execute0_lowered;
	s2 =	sadd.s32 s2, s4;
	[dreg:$0x0] =	wrdreg $0x0  }
0xa8: {  	s4 =	sshll.u32 s28, $0x1;
	[dreg:$0x2] =	wrdreg s2  }
0xa9: {  	[dreg:$0x3] =	wrdreg s4  }
0xaa: {  	[dreg:$0x4] =	wrdreg $0xC0  }
0xab: {  	_ =	task [dreg:s6], $0x5FFFF  }
0xac: {  	[dreg:$0x1] =	wrdreg $0xFFFFFFFF  }
0xad: {  	[dreg:$0x0] =	wrdreg $0x60  }
0xae: {  	[dreg:$0x2] =	wrdreg s24  }
0xaf: {  	[dreg:$0x3] =	wrdreg $0x90000  }
0xb0: {  	[dreg:$0x4] =	wrdreg $0x130000  }
0xb1: {  	[dreg:$0x5] =	wrdreg $0x9  }
0xb2: {  	_ =	task.clear_ibuf [dreg:s6], $0x6FFFF;
	_ =	strace $0x90000049  }
0xb3: {  	s29 =	simm.s32 $0x9;
	_ =	strace $0x8000004B  }
0xb4: {  	_ =	swait.ge [sflag:s29], $0x1  }
0xb5: {  	[sflag:s29] =	ssyncadd.s32 $0xFFFFFFFF  }
0xb6: {  	_ =	strace $0x9000004B  }
0xb7: {  	_ =	sfence  }
0xb8: {  	s30 =	sld [smem:$0x0];
	_ =	sdelay $0x2  }
0xb9: {  	s31 =	sshll.u32 s1, $0xD;
	s1 =	sshrl.u32 s1, $0x2  }
0xba: {  	s3 =	sand.u32 $0x4000, s31;
	s1 =	sadd.s32 s1, s30  }
0xbb: {  	s0 =	sor.u32 s3, s0;
	s1 =	sshll.u32 s1, $0x11  }
0xbc: {  	s0 =	sor.u32 s1, s0  }
0xbd: {  	s0 =	sadd.s32 $0x8F2B, s0  }
0xbe: {  	[sflag:s0] =	ssyncadd.remote.s32 $0x1  }
0xbf: {  	_ =	sfence.sel $0xFFFF  }
0xc0: {  	[dreg:$0x0] =	wrdreg $0xFFFFFFFF;
	(pc) =	sbr.abs _section_cstart, $3  }
0xc1: {  	[dreg:$0x1] =	wrdreg $0xFFFFFFFF  }
0xc2: {  	_ =	task.clear_ibuf [dreg:s6], $0x2FFFF;
	_ =	strace $0x9FFFFFFF  }
0xc3: {  	(tm) =	ssettm $0x7FFFFFFF  }
tec
execute0_lowered:
.L_overlay_start_1:
0x0: {  	(tag) =	ssettag $0x1  }
0x1: {  	s5 =	rddreg [dreg:$0x0]  }
0x2: {  	s1 =	rddreg [dreg:$0x1]  }
0x3: {  	s0 =	srdreg.scid;
	s3 =	rddreg [dreg:$0x2]  }
0x4: {  	s2 =	stileid.u32;
	s4 =	simm.s32 $0x0;
	s17 =	simm.s32 $0x10  }
0x5: {  	s18 =	simm.s32 $0x2800;
	s19 =	simm.s32 $0x80;
	s20 =	simm.s32 $0x5000  }
0x6: {  	s21 =	simm.s32 $0x7000;
	s22 =	simm.s32 $0x2;
	s23 =	simm.s32 $0x4F00  }
0x7: {  	s24 =	simm.s32 $0x4F80;
	s6 =	sand.u32 $0x1, s0;
	s0 =	rddreg [dreg:$0x3]  }
0x8: {  	s25 =	simm.s32 $0x0;
	s8 =	smul.u32 $0x14000, s2;
	[smem:$0x7FF] =	sst s4  }
0x9: {  	s11 =	smul.u32 $0xA000, s2;
	s31 =	sshll.u32 s2, $0x6;
	s7 =	sshll.u32 s6, $0x4  }
0xa: {  	_ =	strace $0x8000004A;
	s10 =	smul.u32 $0x140000, s6;
	s6 =	ssub.s32 $0x2, s6  }
0xb: {  	s7 =	sor.u32 s2, s7;
	s9 =	sshrl.u32 s8, $0x3;
	s29 =	sshrl.u32 s11, $0x3  }
0xc: {  	s30 =	sshrl.u32 s6, $0x1;
	s15 =	sadd.s32 s11, s1;
	s16 =	sadd.s32 s11, s3  }
0xd: {  	s7 =	smul.u32 $0x2800, s7;
	s9 =	sadd.s32 s9, s5;
	s28 =	sadd.s32 s8, s10  }
0xe: {  	s8 =	sadd.s32 s29, s5;
	s14 =	ssub.s32 s6, s30;
	s6 =	sor.u32 $0x1C03, s31  }
0xf: {  	s11 =	smax.u32 s14, $0x1;
	s14 =	sshrl.u32 s16, $0x3;
	s7 =	sshrl.u32 s7, $0x3  }
0x10: {  	s16 =	simm.s32 $0x8;
	s12 =	sadd.s32 s7, s5;
	s7 =	sshrl.u32 s28, $0x3  }
0x11: {  	s13 =	sadd.s32 s7, s5;
	s5 =	sadd.s32 $0x91200, s8;
	s7 =	sadd.s32 $0x69200, s9  }
0x12: {  	s8 =	sadd.s32 $0x5200, s12;
	s9 =	sadd.s32 $0xF200, s12;
	s12 =	sshrl.u32 s15, $0x3  }
0x13: {  	s15 =	simm.s32 $0x1;
	s10 =	sadd.s32 $0xA5200, s13;
	s13 =	simm.s32 $0x3  }
.LBB2_1:
0x14: {  	[spmem:s12], [sflag:s6] =	dma.local [hbm:s5], $0x1400  }
0x15: {  	_ =	swait.ge [sflag:s13], $0x1400  }
0x16: {  	[sflag:s13] =	ssyncset.done $0x0  }
0x17: {  	[sflag:s13] =	ssyncadd.s32 $0xFFFFEC00  }
0x18: {  	[spmem:s14@s16], [sflag:s6] =	dma.strided [hbm:s7@s17], $0x1400, s15, $0x8   }
0x19: {  	_ =	swait.ge [sflag:s13], $0x1400  }
0x1a: {  	[sflag:s13] =	ssyncset.done $0x0  }
0x1b: {  	[sflag:s13] =	ssyncadd.s32 $0xFFFFEC00  }
0x1c: {  	[tilespmem:s4], [sflag:$0x3] =	stream.linear.gather [hbm4b:s8+s4], $0x2800, $0x38;
	[tilespmem:$0x1D000] =	vst v63  }
0x1d: {  	_ =	swait.ge [sflag:s13], $0x2800  }
0x1e: {  	[sflag:s13] =	ssyncset.done $0x0  }
0x1f: {  	[sflag:s13] =	ssyncadd.s32 $0xFFFFD800  }
0x20: {  	[tilespmem:s18], [sflag:$0x3] =	stream.linear.gather [hbm4b:s9+s4], $0x2800, $0x38;
	[tilespmem:$0x1D000] =	vst v63  }
0x21: {  	_ =	swait.ge [sflag:s13], $0x2800  }
0x22: {  	[sflag:s13] =	ssyncset.done $0x0  }
0x23: {  	[sflag:s13] =	ssyncadd.s32 $0xFFFFD800  }
0x24: {  	[bflag:$0x0] =	sbarrier.arrive $0xFFFF  }
0x25: {  	[tilespmem:s20], [sflag:$0x1] =	stream.indirect.gather [spmem:s3], $0x40, s4, s19, $0xb8;
	[tilespmem:$0x1D000] =	vst v63  }
0x26: {  	_ = 	snop  }
0x27: {  	[tilespmem:s21], [sflag:$0x2] =	stream.indirect.gather [spmem:s3], $0x40, s19, s19, $0xb8;
	[tilespmem:$0x1D000] =	vst v63  }
0x28: {  	_ =	swait.ge [sflag:s15], $0x2000  }
0x29: {  	[sflag:s15] =	ssyncset.done $0x0  }
0x2a: {  	s26 =	simm.s32 $0x2800;
	[sflag:s15] =	ssyncadd.s32 $0xFFFFE000  }
0x2b: {  	[spmem:s1] =	stream.indirect.scatter.add.f32 [tilespmem:s20], [sflag:$0x3], $0x40, s26, s19, $0xb8;
	[tilespmem:$0x1D000] =	vst v63  }
0x2c: {  	_ =	swait.ge [sflag:s13], $0x2000  }
0x2d: {  	[sflag:s13] =	ssyncset.done $0x0  }
0x2e: {  	s30 =	simm.s32 $0x100;
	[sflag:s13] =	ssyncadd.s32 $0xFFFFE000  }
0x2f: {  	[tilespmem:s20], [sflag:$0x1] =	stream.indirect.gather [spmem:s3], $0x40, s30, s19, $0xb8;
	[tilespmem:$0x1D000] =	vst v63  }
0x30: {  	_ =	swait.ge [sflag:s22], $0x2000  }
0x31: {  	[sflag:s22] =	ssyncset.done $0x0  }
0x32: {  	s31 =	simm.s32 $0x2880;
	[sflag:s22] =	ssyncadd.s32 $0xFFFFE000  }
0x33: {  	[spmem:s1] =	stream.indirect.scatter.add.f32 [tilespmem:s21], [sflag:$0x3], $0x40, s31, s19, $0xb8;
	[tilespmem:$0x1D000] =	vst v63  }
0x34: {  	_ =	swait.ge [sflag:s13], $0x2000  }
0x35: {  	[sflag:s13] =	ssyncset.done $0x0  }
0x36: {  	s28 =	simm.s32 $0x180;
	s26 =	simm.s32 $0x400;
	[sflag:s13] =	ssyncadd.s32 $0xFFFFE000  }
.LBB2_2:
0x37: {  	[tilespmem:s21], [sflag:$0x2] =	stream.indirect.gather [spmem:s3], $0x40, s28, s19, $0xb8;
	[tilespmem:$0x1D000] =	vst v63  }
0x38: {  	s28 =	smov.u32 s26  }
0x39: {  	p0 =	sne.s32 s26, $0x9800;
	s26 =	sadd.s32 $0x400, s26;
	_ =	swait.ge [sflag:s15], $0x2000  }
0x3a: {  	s28 =	sshra.s32 s28, $0x2;
	[sflag:s15] =	ssyncset.done $0x0  }
0x3b: {  	s29 =	sadd.s32 $0x2800, s28;
	[sflag:s15] =	ssyncadd.s32 $0xFFFFE000  }
0x3c: {  	[spmem:s1] =	stream.indirect.scatter.add.f32 [tilespmem:s20], [sflag:$0x3], $0x40, s29, s19, $0xb8;
	[tilespmem:$0x1D000] =	vst v63  }
0x3d: {  	_ =	swait.ge [sflag:s13], $0x2000  }
0x3e: {  	[sflag:s13] =	ssyncset.done $0x0  }
0x3f: {  	s29 =	sadd.s32 $0x100, s28;
	[sflag:s13] =	ssyncadd.s32 $0xFFFFE000  }
0x40: {  	[tilespmem:s20], [sflag:$0x1] =	stream.indirect.gather [spmem:s3], $0x40, s29, s19, $0xb8;
	[tilespmem:$0x1D000] =	vst v63  }
0x41: {  	_ =	swait.ge [sflag:s22], $0x2000  }
0x42: {  	[sflag:s22] =	ssyncset.done $0x0  }
.Ltmp0:
0x43: {  	s29 =	sadd.s32 $0x2880, s28;
	[sflag:s22] =	ssyncadd.s32 $0xFFFFE000;
	(pc) =	sbr.rel @p0 .LBB2_2-.Ltmp0, $4  }
0x44: {  	[spmem:s1] =	stream.indirect.scatter.add.f32 [tilespmem:s21], [sflag:$0x3], $0x40, s29, s19, $0xb8;
	[tilespmem:$0x1D000] =	vst v63  }
0x45: {  	_ =	swait.ge [sflag:s13], $0x2000  }
0x46: {  	[sflag:s13] =	ssyncset.done $0x0  }
0x47: {  	s28 =	sadd.s32 $0x180, s28;
	[sflag:s13] =	ssyncadd.s32 $0xFFFFE000  }
0x48: {  	[tilespmem:s21], [sflag:$0x2] =	stream.indirect.gather [spmem:s3], $0x40, s28, s19, $0xb8;
	[tilespmem:$0x1D000] =	vst v63  }
0x49: {  	_ =	swait.ge [sflag:s15], $0x2000  }
0x4a: {  	[sflag:s15] =	ssyncset.done $0x0  }
0x4b: {  	[sflag:s15] =	ssyncadd.s32 $0xFFFFE000  }
0x4c: {  	[spmem:s1] =	stream.indirect.scatter.add.f32 [tilespmem:s20], [sflag:$0x3], $0x40, s23, s19, $0xb8;
	[tilespmem:$0x1D000] =	vst v63  }
0x4d: {  	_ =	swait.ge [sflag:s13], $0x2000  }
0x4e: {  	[sflag:s13] =	ssyncset.done $0x0  }
0x4f: {  	[sflag:s13] =	ssyncadd.s32 $0xFFFFE000  }
0x50: {  	_ =	swait.ge [sflag:s22], $0x2000  }
0x51: {  	[sflag:s22] =	ssyncset.done $0x0  }
0x52: {  	[sflag:s22] =	ssyncadd.s32 $0xFFFFE000  }
0x53: {  	[spmem:s1] =	stream.indirect.scatter.add.f32 [tilespmem:s21], [sflag:$0x3], $0x40, s24, s19, $0xb8;
	[tilespmem:$0x1D000] =	vst v63  }
0x54: {  	_ =	swait.ge [sflag:s13], $0x2000  }
0x55: {  	s25 =	sadd.s32 $0x1, s25;
	[sflag:s13] =	ssyncset.done $0x0  }
0x56: {  	p0 =	sne.s32 s25, s11;
	[sflag:s13] =	ssyncadd.s32 $0xFFFFE000  }
.Ltmp1:
0x57: {  	[bflag:$0x0] =	sbarrier.arrive $0xFFFF;
	(pc) =	sbr.rel @p0 .LBB2_1-.Ltmp1, $4  }
0x58: {  	[hbm:s10@s17], [sflag:s6] =	dma.strided [spmem:s12@s16], $0x1400, s15, $0x8   }
0x59: {  	_ =	swait.ge [sflag:s13], $0x1400  }
0x5a: {  	[sflag:s13] =	ssyncset.done $0x0  }
0x5b: {  	[sflag:s13] =	ssyncadd.s32 $0xFFFFEC00  }
0x5c: {  	_ =	sfence.sel $0x180000  }
0x5d: {  	[bflag:$0x0] =	sbarrier.arrive $0xFFFF  }
0x5e: {  	p0 =	sne.s32 s2, $0x0;
	_ =	strace $0x9000004A  }
0x5f: {  	s0 =	sadd.s32 @!p0 $0x100000, s0;
	[bflag:$0x2] =	sbarrier.arrive $0xFFFF  }
0x60: {  	[sflag:s0] =	ssyncadd.tile.s32 @!p0 $0x1;
	_ =	shalt  }
.Lfunc_end2:
_tile_overlayer_lowered:
.L_overlay_start_2:
0x61: {  	(tag) =	ssettag $0x2  }
0x62: {  	s0 =	rddreg [dreg:$0x0];
	s2 =	stileid.u32  }
0x63: {  	s1 =	rddreg [dreg:$0x1];
	p0 =	sne.s32 s2, $0x0  }
0x64: {  	s3 =	rddreg [dreg:$0x2];
	[bflag:$0x3] =	sbarrier.arrive $0xFFFF;
	s2 =	simm.s32 @!p0 $0x1C03  }
0x65: {  	[timem:s3], [sflag:s2] =	dma.local @!p0 [hbm:s0], s1  }
0x66: {  	s0 =	simm.s32 @!p0 $0x3  }
0x67: {  	_ =	swait.ge @!p0 [sflag:s0], s1  }
0x68: {  	s1 =	ssub.s32 @!p0 $0x0, s1;
	[sflag:s0] =	ssyncset.done @!p0 $0x0  }
0x69: {  	[sflag:s0] =	ssyncadd.s32 @!p0 s1  }
0x6a: {  	[bflag:$0x3] =	sbarrier.arrive $0xFFFF  }
0x6b: {  	_ =	shalt  }

// kernel: kernel.17.cloned.1.call-start
scs
__scs_entry_jumppad:
0x0: {  	(pc) =	sbr.rel $0x88, $3  }
0x1: {  	(tag) =	ssettag $0x0;
	lr =	simm.s32 $0x1  }
0x2: {  	[smem:$0x3F8E] =	sst lr;
	_ =	strace $0xD0000000  }
0x3: {  	_ = 	snop  }
0x4: {  	_ = 	snop  }
0x5: {  	_ = 	snop  }
0x6: {  	_ = 	snop  }
0x7: {  	_ = 	snop  }
__scs_overlays_trampoline_lowered:
0x8: {  	[smem:$0x3F9D] =	sst s0  }
0x9: {  	[smem:$0x3F9E] =	sst s1  }
0xa: {  	[smem:$0x3F9F] =	sst s2  }
0xb: {  	[smem:$0x3FA0] =	sst s3  }
0xc: {  	[smem:$0x3FA1] =	sst s4  }
0xd: {  	[smem:$0x3FA2] =	sst s5  }
0xe: {  	[smem:$0x3FA3] =	sst s6  }
0xf: {  	[smem:$0x3FA4] =	sst s7  }
0x10: {  	[smem:$0x3FA5] =	sst s8  }
0x11: {  	[smem:$0x3FA6] =	sst s9;
	s0 =	simm.s32 @!p0 $0x0  }
0x12: {  	s1 =	sld [smem:$0x3F8C];
	s0 =	simm.s32 @p0 $0x1  }
0x13: {  	[smem:$0x3FA7] =	sst s0;
	s0 =	simm.s32 @!p1 $0x0  }
0x14: {  	s2 =	sld [smem:$0x3F8B];
	s0 =	simm.s32 @p1 $0x1  }
0x15: {  	[smem:$0x3FA8] =	sst s0;
	s0 =	simm.s32 @!p2 $0x0  }
0x16: {  	s3 =	sld [smem:$0x3FDB];
	s0 =	simm.s32 @p2 $0x1  }
0x17: {  	s4 =	simm.s32 $0x1BF5;
	[smem:$0x3FAA] =	sst s0  }
0x18: {  	s0 =	sld [smem:$0x3F8D];
	_ =	swait.ge [sflag:s4], $0x0  }
0x19: {  	s7 =	sld [smem:$0x3F8E]  }
0x1a: {  	s8 =	sadd.s32 $0xFFFFE003, lr  }
0x1b: {  	s9 =	sadd.s32 $0xFFFFFEF7, lr;
	s5 =	simm.s32 $0xFFFFFFFF;
	p2 =	slt.u32 s8, $0xFFFFF086  }
0x1c: {  	p1 =	slt.u32 s9, $0xF7A;
	s5 =	simm.s32 @!p2 $0x0  }
0x1d: {  	s5 =	simm.s32 @p1 $0x1;
	p0 =	seq.s32 s7, s2  }
0x1e: {  	s7 =	smul.u32 @!p0 $0xF7A, s2;
	p2 =	seq.s32 @!p0 s5, $0x0  }
0x1f: {  	s9 =	smul.u32 $0xF7A, s1;
	s8 =	simm.s32 @!p0 $0x1BF5;
	p2 =	por !p2, p0  }
0x20: {  	[sflag:s8] =	ssyncset.s32 @!p0 $0xFFFFF086;
	s6 =	sadd.s32 @!p0 s3, s7;
	s7 =	simm.s32 @!p0 $0x108  }
0x21: {  	s3 =	sadd.s32 s3, s9;
	s6 =	sadd.s32 @!p0 $0x88, s6;
	s7 =	simm.s32 @p2 $0x1082  }
0x22: {  	[simem:s7], [sflag:s8] =	dma.local @!p0 [hbm:s6], $0xF7A  }
0x23: {  	s9 =	sor.u32 $0xD0000000, s2;
	s6 =	simm.s32 $0x108;
	_ =	swait.ge @!p0 [sflag:s8], $0x0  }
0x24: {  	s3 =	sadd.s32 $0x88, s3;
	s6 =	simm.s32 @!p1 $0x1082;
	[sflag:s4] =	ssyncset.s32 $0xFFFFF086  }
0x25: {  	[simem:s6], [sflag:s4] =	dma.local [hbm:s3], $0xF7A  }
0x26: {  	[smem:$0x3F8E] =	sst s1;
	(tag) =	ssettag s2;
	_ =	strace s9  }
0x27: {  	s1 =	sld [smem:$0x3F9E]  }
0x28: {  	s2 =	sld [smem:$0x3F9F]  }
0x29: {  	s4 =	sld [smem:$0x3FA1]  }
0x2a: {  	p0 =	seq.s32 s5, $0x0;
	s5 =	sld [smem:$0x3FA2]  }
0x2b: {  	s6 =	sld [smem:$0x3FA3]  }
0x2c: {  	s7 =	sld [smem:$0x3FA4]  }
0x2d: {  	s3 =	simm.s32 $0x108;
	s8 =	sld [smem:$0x3FA5]  }
0x2e: {  	s3 =	simm.s32 @!p0 $0x1082;
	s9 =	sld [smem:$0x3FA6]  }
0x2f: {  	lr =	sadd.s32 s0, s3;
	s0 =	sld [smem:$0x3F9D]  }
0x30: {  	s3 =	sld [smem:$0x3FA0]  }
0x31: {  	[smem:$0x3FA9] =	sst s10  }
0x32: {  	s10 =	sld [smem:$0x3FA7];
	_ =	sdelay $0x3  }
0x33: {  	p0 =	seq.s32 s10, $0x1;
	s10 =	sld [smem:$0x3FA9];
	_ =	sdelay $0x3  }
0x34: {  	[smem:$0x3FA9] =	sst s10  }
0x35: {  	s10 =	sld [smem:$0x3FA8];
	_ =	sdelay $0x3  }
0x36: {  	p1 =	seq.s32 s10, $0x1;
	s10 =	sld [smem:$0x3FA9];
	_ =	sdelay $0x3  }
0x37: {  	[smem:$0x3FA9] =	sst s10  }
0x38: {  	s10 =	sld [smem:$0x3FAA]  }
0x39: {  	_ = 	snop;
	(pc) =	sbr.ind lr, $3  }
0x3a: {  	_ = 	snop  }
0x3b: {  	_ = 	snop  }
0x3c: {  	p2 =	seq.s32 s10, $0x1;
	s10 =	sld [smem:$0x3FA9]  }
0x3d: {  	_ =	shalt  }
0x3e: {  	_ =	shalt  }
0x3f: {  	_ =	shalt  }
0x40: {  	_ =	shalt  }
0x41: {  	_ =	shalt  }
0x42: {  	_ =	shalt  }
0x43: {  	_ =	shalt  }
0x44: {  	_ =	shalt  }
0x45: {  	_ =	shalt  }
0x46: {  	_ =	shalt  }
0x47: {  	_ =	shalt  }
0x48: {  	_ =	shalt  }
0x49: {  	_ =	shalt  }
0x4a: {  	_ =	shalt  }
0x4b: {  	_ =	shalt  }
0x4c: {  	_ =	shalt  }
0x4d: {  	_ =	shalt  }
0x4e: {  	_ =	shalt  }
0x4f: {  	_ =	shalt  }
0x50: {  	_ =	shalt  }
0x51: {  	_ =	shalt  }
0x52: {  	_ =	shalt  }
0x53: {  	_ =	shalt  }
0x54: {  	_ =	shalt  }
0x55: {  	_ =	shalt  }
0x56: {  	_ =	shalt  }
0x57: {  	_ =	shalt  }
0x58: {  	_ =	shalt  }
0x59: {  	_ =	shalt  }
0x5a: {  	_ =	shalt  }
0x5b: {  	_ =	shalt  }
0x5c: {  	_ =	shalt  }
0x5d: {  	_ =	shalt  }
0x5e: {  	_ =	shalt  }
0x5f: {  	_ =	shalt  }
0x60: {  	_ =	shalt  }
0x61: {  	_ =	shalt  }
0x62: {  	_ =	shalt  }
0x63: {  	_ =	shalt  }
0x64: {  	_ =	shalt  }
0x65: {  	_ =	shalt  }
0x66: {  	_ =	shalt  }
0x67: {  	_ =	shalt  }
0x68: {  	_ =	shalt  }
0x69: {  	_ =	shalt  }
0x6a: {  	_ =	shalt  }
0x6b: {  	_ =	shalt  }
0x6c: {  	_ =	shalt  }
0x6d: {  	_ =	shalt  }
0x6e: {  	_ =	shalt  }
0x6f: {  	_ =	shalt  }
0x70: {  	_ =	shalt  }
0x71: {  	_ =	shalt  }
0x72: {  	_ =	shalt  }
0x73: {  	_ =	shalt  }
0x74: {  	_ =	shalt  }
0x75: {  	_ =	shalt  }
0x76: {  	_ =	shalt  }
0x77: {  	_ =	shalt  }
0x78: {  	_ =	shalt  }
0x79: {  	_ =	shalt  }
0x7a: {  	_ =	shalt  }
0x7b: {  	_ =	shalt  }
0x7c: {  	_ =	shalt  }
0x7d: {  	_ =	shalt  }
0x7e: {  	_ =	shalt  }
0x7f: {  	_ =	shalt  }
0x80: {  	_ =	shalt  }
0x81: {  	_ =	shalt  }
0x82: {  	_ =	shalt  }
0x83: {  	_ =	shalt  }
0x84: {  	_ =	shalt  }
0x85: {  	_ =	shalt  }
0x86: {  	_ =	shalt  }
0x87: {  	_ =	shalt  }
.Lfunc_end0:
.L_simem_size_0:
called_computation.2_lowered:
.L_overlay_start_0:
0x88: {  	s2 =	sld [smem:$0x3FD9]  }
0x89: {  	s3 =	sld [smem:$0x3FFE];
	_ =	sdelay $0x1  }
0x8a: {  	s1 =	srdreg.scid  }
0x8b: {  	s0 =	sand.u32 $0x1, s1  }
0x8c: {  	s16 =	sshll.u32 s0, $0xA;
	s2 =	sadd.s32 s3, s2  }
0x8d: {  	s2 =	sadd.s32 s2, s16  }
0x8e: {  	[smem:$0x3FB5] =	sst s2  }
0x8f: {  	_ = 	snop  }
0x90: {  	(tm) =	ssettm $0x1  }
0x91: {  	s17 =	sld [smem:$0x3FFB];
	_ =	sdelay $0x3  }
0x92: {  	_ =	strace s17  }
0x93: {  	s2 =	sld [smem:$0x3FFC];
	_ =	sdelay $0x3  }
0x94: {  	_ =	strace s2  }
0x95: {  	s2 =	sld [smem:$0x3FFD];
	_ =	sdelay $0x3  }
0x96: {  	_ =	strace s2  }
0x97: {  	_ =	strace $0x8FFFFFFF  }
0x98: {  	s18 =	sld [smem:$0x3FDB];
	_ =	sdelay $0x1  }
0x99: {  	s19 =	simm.s32 $_scs_section_size  }
0x9a: {  	s4 =	simm.s32 $_size__tile_overlayer_lowered;
	s5 =	simm.s32 $_tile_overlayer_lowered  }
0x9b: {  	s22 =	simm.s32 $0x1BFF;
	s21 =	sshll.u32 s5, $0x1;
	s2 =	sadd.s32 s19, s18  }
0x9c: {  	s6 =	simm.s32 $0x0;
	s20 =	sshll.u32 s4, $0x1;
	s4 =	sadd.s32 s21, s2  }
0x9d: {  	[timem:s6], [sflag:s22] =	dma.local [hbm:s4], s20  }
0x9e: {  	_ =	swait.ge [sflag:s22], s20  }
0x9f: {  	s3 =	ssub.s32 $0x0, s20;
	[sflag:s22] =	ssyncset.done $0x0  }
0xa0: {  	[sflag:s22] =	ssyncadd.s32 s3;
	_ =	sdelay $0x1  }
0xa1: {  	s23 =	simm.s32 $0x1B8B  }
0xa2: {  	_ =	swait.ge [sflag:s23], $0x1  }
0xa3: {  	[sflag:s23] =	ssyncset.done $0x0  }
0xa4: {  	s25 =	simm.s32 $0x1B8E;
	s24 =	sld [smem:$0x3FFE];
	[sflag:s23] =	ssyncadd.s32 $0xFFFFFFFF  }
0xa5: {  	s26 =	simm.s32 $execute0_lowered;
	[smem:$0x3FD2] =	sst s25  }
0xa6: {  	s4 =	sshll.u32 s26, $0x1;
	_ =	strace $0x8000004C;
	[dreg:$0x1] =	wrdreg $0xFFFFFFFF  }
0xa7: {  	s28 =	simm.s32 $_size_execute0_lowered;
	s2 =	sadd.s32 s2, s4;
	[dreg:$0x0] =	wrdreg $0x0  }
0xa8: {  	s4 =	sshll.u32 s28, $0x1;
	[dreg:$0x2] =	wrdreg s2  }
0xa9: {  	[dreg:$0x3] =	wrdreg s4  }
0xaa: {  	[dreg:$0x4] =	wrdreg $0xC0  }
0xab: {  	_ =	task [dreg:s6], $0x5FFFF  }
0xac: {  	[dreg:$0x1] =	wrdreg $0xFFFFFFFF  }
0xad: {  	[dreg:$0x0] =	wrdreg $0x60  }
0xae: {  	[dreg:$0x2] =	wrdreg s24  }
0xaf: {  	[dreg:$0x3] =	wrdreg $0x90000  }
0xb0: {  	[dreg:$0x4] =	wrdreg $0x130000  }
0xb1: {  	[dreg:$0x5] =	wrdreg $0x9  }
0xb2: {  	_ =	task.clear_ibuf [dreg:s6], $0x6FFFF;
	_ =	strace $0x9000004C  }
0xb3: {  	s29 =	simm.s32 $0x9;
	_ =	strace $0x8000004E  }
0xb4: {  	_ =	swait.ge [sflag:s29], $0x1  }
0xb5: {  	[sflag:s29] =	ssyncadd.s32 $0xFFFFFFFF  }
0xb6: {  	_ =	strace $0x9000004E  }
0xb7: {  	_ =	sfence  }
0xb8: {  	s30 =	sld [smem:$0x0];
	_ =	sdelay $0x2  }
0xb9: {  	s31 =	sshll.u32 s1, $0xD;
	s1 =	sshrl.u32 s1, $0x2  }
0xba: {  	s3 =	sand.u32 $0x4000, s31;
	s1 =	sadd.s32 s1, s30  }
0xbb: {  	s0 =	sor.u32 s3, s0;
	s1 =	sshll.u32 s1, $0x11  }
0xbc: {  	s0 =	sor.u32 s1, s0  }
0xbd: {  	s0 =	sadd.s32 $0x8F2B, s0  }
0xbe: {  	[sflag:s0] =	ssyncadd.remote.s32 $0x1  }
0xbf: {  	_ =	sfence.sel $0xFFFF  }
0xc0: {  	[dreg:$0x0] =	wrdreg $0xFFFFFFFF;
	(pc) =	sbr.abs _section_cstart, $3  }
0xc1: {  	[dreg:$0x1] =	wrdreg $0xFFFFFFFF  }
0xc2: {  	_ =	task.clear_ibuf [dreg:s6], $0x2FFFF;
	_ =	strace $0x9FFFFFFF  }
0xc3: {  	(tm) =	ssettm $0x7FFFFFFF  }
tec
execute0_lowered:
.L_overlay_start_1:
0x0: {  	(tag) =	ssettag $0x1  }
0x1: {  	s5 =	rddreg [dreg:$0x0]  }
0x2: {  	s1 =	rddreg [dreg:$0x1]  }
0x3: {  	s0 =	srdreg.scid;
	s3 =	rddreg [dreg:$0x2]  }
0x4: {  	s2 =	stileid.u32;
	s4 =	simm.s32 $0x0;
	s17 =	simm.s32 $0x10  }
0x5: {  	s18 =	simm.s32 $0x2800;
	s19 =	simm.s32 $0x80;
	s20 =	simm.s32 $0x5000  }
0x6: {  	s21 =	simm.s32 $0x7000;
	s22 =	simm.s32 $0x2;
	s23 =	simm.s32 $0x4F00  }
0x7: {  	s24 =	simm.s32 $0x4F80;
	s6 =	sand.u32 $0x1, s0;
	s0 =	rddreg [dreg:$0x3]  }
0x8: {  	s25 =	simm.s32 $0x0;
	s8 =	smul.u32 $0x14000, s2;
	[smem:$0x7FF] =	sst s4  }
0x9: {  	s11 =	smul.u32 $0xA000, s2;
	s31 =	sshll.u32 s2, $0x6;
	s7 =	sshll.u32 s6, $0x4  }
0xa: {  	_ =	strace $0x8000004D;
	s10 =	smul.u32 $0x140000, s6;
	s6 =	ssub.s32 $0x2, s6  }
0xb: {  	s7 =	sor.u32 s2, s7;
	s9 =	sshrl.u32 s8, $0x3;
	s29 =	sshrl.u32 s11, $0x3  }
0xc: {  	s30 =	sshrl.u32 s6, $0x1;
	s15 =	sadd.s32 s11, s1;
	s16 =	sadd.s32 s11, s3  }
0xd: {  	s7 =	smul.u32 $0x2800, s7;
	s9 =	sadd.s32 s9, s5;
	s28 =	sadd.s32 s8, s10  }
0xe: {  	s8 =	sadd.s32 s29, s5;
	s14 =	ssub.s32 s6, s30;
	s6 =	sor.u32 $0x1C03, s31  }
0xf: {  	s11 =	smax.u32 s14, $0x1;
	s14 =	sshrl.u32 s16, $0x3;
	s7 =	sshrl.u32 s7, $0x3  }
0x10: {  	s16 =	simm.s32 $0x8;
	s12 =	sadd.s32 s7, s5;
	s7 =	sshrl.u32 s28, $0x3  }
0x11: {  	s13 =	sadd.s32 s7, s5;
	s5 =	sadd.s32 $0x91200, s8;
	s7 =	sadd.s32 $0x69200, s9  }
0x12: {  	s8 =	sadd.s32 $0x5200, s12;
	s9 =	sadd.s32 $0xF200, s12;
	s12 =	sshrl.u32 s15, $0x3  }
0x13: {  	s15 =	simm.s32 $0x1;
	s10 =	sadd.s32 $0xA5200, s13;
	s13 =	simm.s32 $0x3  }
.LBB2_1:
0x14: {  	[spmem:s12], [sflag:s6] =	dma.local [hbm:s5], $0x1400  }
0x15: {  	_ =	swait.ge [sflag:s13], $0x1400  }
0x16: {  	[sflag:s13] =	ssyncset.done $0x0  }
0x17: {  	[sflag:s13] =	ssyncadd.s32 $0xFFFFEC00  }
0x18: {  	[spmem:s14@s16], [sflag:s6] =	dma.strided [hbm:s7@s17], $0x1400, s15, $0x8   }
0x19: {  	_ =	swait.ge [sflag:s13], $0x1400  }
0x1a: {  	[sflag:s13] =	ssyncset.done $0x0  }
0x1b: {  	[sflag:s13] =	ssyncadd.s32 $0xFFFFEC00  }
0x1c: {  	[tilespmem:s4], [sflag:$0x3] =	stream.linear.gather [hbm4b:s8+s4], $0x2800, $0x38;
	[tilespmem:$0x1D000] =	vst v63  }
0x1d: {  	_ =	swait.ge [sflag:s13], $0x2800  }
0x1e: {  	[sflag:s13] =	ssyncset.done $0x0  }
0x1f: {  	[sflag:s13] =	ssyncadd.s32 $0xFFFFD800  }
0x20: {  	[tilespmem:s18], [sflag:$0x3] =	stream.linear.gather [hbm4b:s9+s4], $0x2800, $0x38;
	[tilespmem:$0x1D000] =	vst v63  }
0x21: {  	_ =	swait.ge [sflag:s13], $0x2800  }
0x22: {  	[sflag:s13] =	ssyncset.done $0x0  }
0x23: {  	[sflag:s13] =	ssyncadd.s32 $0xFFFFD800  }
0x24: {  	[bflag:$0x0] =	sbarrier.arrive $0xFFFF  }
0x25: {  	[tilespmem:s20], [sflag:$0x1] =	stream.indirect.gather [spmem:s3], $0x40, s4, s19, $0xb8;
	[tilespmem:$0x1D000] =	vst v63  }
0x26: {  	_ = 	snop  }
0x27: {  	[tilespmem:s21], [sflag:$0x2] =	stream.indirect.gather [spmem:s3], $0x40, s19, s19, $0xb8;
	[tilespmem:$0x1D000] =	vst v63  }
0x28: {  	_ =	swait.ge [sflag:s15], $0x2000  }
0x29: {  	[sflag:s15] =	ssyncset.done $0x0  }
0x2a: {  	s26 =	simm.s32 $0x2800;
	[sflag:s15] =	ssyncadd.s32 $0xFFFFE000  }
0x2b: {  	[spmem:s1] =	stream.indirect.scatter.add.f32 [tilespmem:s20], [sflag:$0x3], $0x40, s26, s19, $0xb8;
	[tilespmem:$0x1D000] =	vst v63  }
0x2c: {  	_ =	swait.ge [sflag:s13], $0x2000  }
0x2d: {  	[sflag:s13] =	ssyncset.done $0x0  }
0x2e: {  	s30 =	simm.s32 $0x100;
	[sflag:s13] =	ssyncadd.s32 $0xFFFFE000  }
0x2f: {  	[tilespmem:s20], [sflag:$0x1] =	stream.indirect.gather [spmem:s3], $0x40, s30, s19, $0xb8;
	[tilespmem:$0x1D000] =	vst v63  }
0x30: {  	_ =	swait.ge [sflag:s22], $0x2000  }
0x31: {  	[sflag:s22] =	ssyncset.done $0x0  }
0x32: {  	s31 =	simm.s32 $0x2880;
	[sflag:s22] =	ssyncadd.s32 $0xFFFFE000  }
0x33: {  	[spmem:s1] =	stream.indirect.scatter.add.f32 [tilespmem:s21], [sflag:$0x3], $0x40, s31, s19, $0xb8;
	[tilespmem:$0x1D000] =	vst v63  }
0x34: {  	_ =	swait.ge [sflag:s13], $0x2000  }
0x35: {  	[sflag:s13] =	ssyncset.done $0x0  }
0x36: {  	s28 =	simm.s32 $0x180;
	s26 =	simm.s32 $0x400;
	[sflag:s13] =	ssyncadd.s32 $0xFFFFE000  }
.LBB2_2:
0x37: {  	[tilespmem:s21], [sflag:$0x2] =	stream.indirect.gather [spmem:s3], $0x40, s28, s19, $0xb8;
	[tilespmem:$0x1D000] =	vst v63  }
0x38: {  	s28 =	smov.u32 s26  }
0x39: {  	p0 =	sne.s32 s26, $0x9800;
	s26 =	sadd.s32 $0x400, s26;
	_ =	swait.ge [sflag:s15], $0x2000  }
0x3a: {  	s28 =	sshra.s32 s28, $0x2;
	[sflag:s15] =	ssyncset.done $0x0  }
0x3b: {  	s29 =	sadd.s32 $0x2800, s28;
	[sflag:s15] =	ssyncadd.s32 $0xFFFFE000  }
0x3c: {  	[spmem:s1] =	stream.indirect.scatter.add.f32 [tilespmem:s20], [sflag:$0x3], $0x40, s29, s19, $0xb8;
	[tilespmem:$0x1D000] =	vst v63  }
0x3d: {  	_ =	swait.ge [sflag:s13], $0x2000  }
0x3e: {  	[sflag:s13] =	ssyncset.done $0x0  }
0x3f: {  	s29 =	sadd.s32 $0x100, s28;
	[sflag:s13] =	ssyncadd.s32 $0xFFFFE000  }
0x40: {  	[tilespmem:s20], [sflag:$0x1] =	stream.indirect.gather [spmem:s3], $0x40, s29, s19, $0xb8;
	[tilespmem:$0x1D000] =	vst v63  }
0x41: {  	_ =	swait.ge [sflag:s22], $0x2000  }
0x42: {  	[sflag:s22] =	ssyncset.done $0x0  }
.Ltmp0:
0x43: {  	s29 =	sadd.s32 $0x2880, s28;
	[sflag:s22] =	ssyncadd.s32 $0xFFFFE000;
	(pc) =	sbr.rel @p0 .LBB2_2-.Ltmp0, $4  }
0x44: {  	[spmem:s1] =	stream.indirect.scatter.add.f32 [tilespmem:s21], [sflag:$0x3], $0x40, s29, s19, $0xb8;
	[tilespmem:$0x1D000] =	vst v63  }
0x45: {  	_ =	swait.ge [sflag:s13], $0x2000  }
0x46: {  	[sflag:s13] =	ssyncset.done $0x0  }
0x47: {  	s28 =	sadd.s32 $0x180, s28;
	[sflag:s13] =	ssyncadd.s32 $0xFFFFE000  }
0x48: {  	[tilespmem:s21], [sflag:$0x2] =	stream.indirect.gather [spmem:s3], $0x40, s28, s19, $0xb8;
	[tilespmem:$0x1D000] =	vst v63  }
0x49: {  	_ =	swait.ge [sflag:s15], $0x2000  }
0x4a: {  	[sflag:s15] =	ssyncset.done $0x0  }
0x4b: {  	[sflag:s15] =	ssyncadd.s32 $0xFFFFE000  }
0x4c: {  	[spmem:s1] =	stream.indirect.scatter.add.f32 [tilespmem:s20], [sflag:$0x3], $0x40, s23, s19, $0xb8;
	[tilespmem:$0x1D000] =	vst v63  }
0x4d: {  	_ =	swait.ge [sflag:s13], $0x2000  }
0x4e: {  	[sflag:s13] =	ssyncset.done $0x0  }
0x4f: {  	[sflag:s13] =	ssyncadd.s32 $0xFFFFE000  }
0x50: {  	_ =	swait.ge [sflag:s22], $0x2000  }
0x51: {  	[sflag:s22] =	ssyncset.done $0x0  }
0x52: {  	[sflag:s22] =	ssyncadd.s32 $0xFFFFE000  }
0x53: {  	[spmem:s1] =	stream.indirect.scatter.add.f32 [tilespmem:s21], [sflag:$0x3], $0x40, s24, s19, $0xb8;
	[tilespmem:$0x1D000] =	vst v63  }
0x54: {  	_ =	swait.ge [sflag:s13], $0x2000  }
0x55: {  	s25 =	sadd.s32 $0x1, s25;
	[sflag:s13] =	ssyncset.done $0x0  }
0x56: {  	p0 =	sne.s32 s25, s11;
	[sflag:s13] =	ssyncadd.s32 $0xFFFFE000  }
.Ltmp1:
0x57: {  	[bflag:$0x0] =	sbarrier.arrive $0xFFFF;
	(pc) =	sbr.rel @p0 .LBB2_1-.Ltmp1, $4  }
0x58: {  	[hbm:s10@s17], [sflag:s6] =	dma.strided [spmem:s12@s16], $0x1400, s15, $0x8   }
0x59: {  	_ =	swait.ge [sflag:s13], $0x1400  }
0x5a: {  	[sflag:s13] =	ssyncset.done $0x0  }
0x5b: {  	[sflag:s13] =	ssyncadd.s32 $0xFFFFEC00  }
0x5c: {  	_ =	sfence.sel $0x180000  }
0x5d: {  	[bflag:$0x0] =	sbarrier.arrive $0xFFFF  }
0x5e: {  	p0 =	sne.s32 s2, $0x0;
	_ =	strace $0x9000004D  }
0x5f: {  	s0 =	sadd.s32 @!p0 $0x100000, s0;
	[bflag:$0x2] =	sbarrier.arrive $0xFFFF  }
0x60: {  	[sflag:s0] =	ssyncadd.tile.s32 @!p0 $0x1;
	_ =	shalt  }
.Lfunc_end2:
_tile_overlayer_lowered:
.L_overlay_start_2:
0x61: {  	(tag) =	ssettag $0x2  }
0x62: {  	s0 =	rddreg [dreg:$0x0];
	s2 =	stileid.u32  }
0x63: {  	s1 =	rddreg [dreg:$0x1];
	p0 =	sne.s32 s2, $0x0  }
0x64: {  	s3 =	rddreg [dreg:$0x2];
	[bflag:$0x3] =	sbarrier.arrive $0xFFFF;
	s2 =	simm.s32 @!p0 $0x1C03  }
0x65: {  	[timem:s3], [sflag:s2] =	dma.local @!p0 [hbm:s0], s1  }
0x66: {  	s0 =	simm.s32 @!p0 $0x3  }
0x67: {  	_ =	swait.ge @!p0 [sflag:s0], s1  }
0x68: {  	s1 =	ssub.s32 @!p0 $0x0, s1;
	[sflag:s0] =	ssyncset.done @!p0 $0x0  }
0x69: {  	[sflag:s0] =	ssyncadd.s32 @!p0 s1  }
0x6a: {  	[bflag:$0x3] =	sbarrier.arrive $0xFFFF  }
0x6b: {  	_ =	shalt  }

// kernel: kernel.20.cloned.1.call-start
scs
__scs_entry_jumppad:
0x0: {  	(pc) =	sbr.rel $0x88, $3  }
0x1: {  	(tag) =	ssettag $0x0;
	lr =	simm.s32 $0x1  }
0x2: {  	[smem:$0x3F8E] =	sst lr;
	_ =	strace $0xD0000000  }
0x3: {  	_ = 	snop  }
0x4: {  	_ = 	snop  }
0x5: {  	_ = 	snop  }
0x6: {  	_ = 	snop  }
0x7: {  	_ = 	snop  }
__scs_overlays_trampoline_lowered:
0x8: {  	[smem:$0x3F9D] =	sst s0  }
0x9: {  	[smem:$0x3F9E] =	sst s1  }
0xa: {  	[smem:$0x3F9F] =	sst s2  }
0xb: {  	[smem:$0x3FA0] =	sst s3  }
0xc: {  	[smem:$0x3FA1] =	sst s4  }
0xd: {  	[smem:$0x3FA2] =	sst s5  }
0xe: {  	[smem:$0x3FA3] =	sst s6  }
0xf: {  	[smem:$0x3FA4] =	sst s7  }
0x10: {  	[smem:$0x3FA5] =	sst s8  }
0x11: {  	[smem:$0x3FA6] =	sst s9;
	s0 =	simm.s32 @!p0 $0x0  }
0x12: {  	s1 =	sld [smem:$0x3F8C];
	s0 =	simm.s32 @p0 $0x1  }
0x13: {  	[smem:$0x3FA7] =	sst s0;
	s0 =	simm.s32 @!p1 $0x0  }
0x14: {  	s2 =	sld [smem:$0x3F8B];
	s0 =	simm.s32 @p1 $0x1  }
0x15: {  	[smem:$0x3FA8] =	sst s0;
	s0 =	simm.s32 @!p2 $0x0  }
0x16: {  	s3 =	sld [smem:$0x3FDB];
	s0 =	simm.s32 @p2 $0x1  }
0x17: {  	s4 =	simm.s32 $0x1BF5;
	[smem:$0x3FAA] =	sst s0  }
0x18: {  	s0 =	sld [smem:$0x3F8D];
	_ =	swait.ge [sflag:s4], $0x0  }
0x19: {  	s7 =	sld [smem:$0x3F8E]  }
0x1a: {  	s8 =	sadd.s32 $0xFFFFE003, lr  }
0x1b: {  	s9 =	sadd.s32 $0xFFFFFEF7, lr;
	s5 =	simm.s32 $0xFFFFFFFF;
	p2 =	slt.u32 s8, $0xFFFFF086  }
0x1c: {  	p1 =	slt.u32 s9, $0xF7A;
	s5 =	simm.s32 @!p2 $0x0  }
0x1d: {  	s5 =	simm.s32 @p1 $0x1;
	p0 =	seq.s32 s7, s2  }
0x1e: {  	s7 =	smul.u32 @!p0 $0xF7A, s2;
	p2 =	seq.s32 @!p0 s5, $0x0  }
0x1f: {  	s9 =	smul.u32 $0xF7A, s1;
	s8 =	simm.s32 @!p0 $0x1BF5;
	p2 =	por !p2, p0  }
0x20: {  	[sflag:s8] =	ssyncset.s32 @!p0 $0xFFFFF086;
	s6 =	sadd.s32 @!p0 s3, s7;
	s7 =	simm.s32 @!p0 $0x108  }
0x21: {  	s3 =	sadd.s32 s3, s9;
	s6 =	sadd.s32 @!p0 $0x88, s6;
	s7 =	simm.s32 @p2 $0x1082  }
0x22: {  	[simem:s7], [sflag:s8] =	dma.local @!p0 [hbm:s6], $0xF7A  }
0x23: {  	s9 =	sor.u32 $0xD0000000, s2;
	s6 =	simm.s32 $0x108;
	_ =	swait.ge @!p0 [sflag:s8], $0x0  }
0x24: {  	s3 =	sadd.s32 $0x88, s3;
	s6 =	simm.s32 @!p1 $0x1082;
	[sflag:s4] =	ssyncset.s32 $0xFFFFF086  }
0x25: {  	[simem:s6], [sflag:s4] =	dma.local [hbm:s3], $0xF7A  }
0x26: {  	[smem:$0x3F8E] =	sst s1;
	(tag) =	ssettag s2;
	_ =	strace s9  }
0x27: {  	s1 =	sld [smem:$0x3F9E]  }
0x28: {  	s2 =	sld [smem:$0x3F9F]  }
0x29: {  	s4 =	sld [smem:$0x3FA1]  }
0x2a: {  	p0 =	seq.s32 s5, $0x0;
	s5 =	sld [smem:$0x3FA2]  }
0x2b: {  	s6 =	sld [smem:$0x3FA3]  }
0x2c: {  	s7 =	sld [smem:$0x3FA4]  }
0x2d: {  	s3 =	simm.s32 $0x108;
	s8 =	sld [smem:$0x3FA5]  }
0x2e: {  	s3 =	simm.s32 @!p0 $0x1082;
	s9 =	sld [smem:$0x3FA6]  }
0x2f: {  	lr =	sadd.s32 s0, s3;
	s0 =	sld [smem:$0x3F9D]  }
0x30: {  	s3 =	sld [smem:$0x3FA0]  }
0x31: {  	[smem:$0x3FA9] =	sst s10  }
0x32: {  	s10 =	sld [smem:$0x3FA7];
	_ =	sdelay $0x3  }
0x33: {  	p0 =	seq.s32 s10, $0x1;
	s10 =	sld [smem:$0x3FA9];
	_ =	sdelay $0x3  }
0x34: {  	[smem:$0x3FA9] =	sst s10  }
0x35: {  	s10 =	sld [smem:$0x3FA8];
	_ =	sdelay $0x3  }
0x36: {  	p1 =	seq.s32 s10, $0x1;
	s10 =	sld [smem:$0x3FA9];
	_ =	sdelay $0x3  }
0x37: {  	[smem:$0x3FA9] =	sst s10  }
0x38: {  	s10 =	sld [smem:$0x3FAA]  }
0x39: {  	_ = 	snop;
	(pc) =	sbr.ind lr, $3  }
0x3a: {  	_ = 	snop  }
0x3b: {  	_ = 	snop  }
0x3c: {  	p2 =	seq.s32 s10, $0x1;
	s10 =	sld [smem:$0x3FA9]  }
0x3d: {  	_ =	shalt  }
0x3e: {  	_ =	shalt  }
0x3f: {  	_ =	shalt  }
0x40: {  	_ =	shalt  }
0x41: {  	_ =	shalt  }
0x42: {  	_ =	shalt  }
0x43: {  	_ =	shalt  }
0x44: {  	_ =	shalt  }
0x45: {  	_ =	shalt  }
0x46: {  	_ =	shalt  }
0x47: {  	_ =	shalt  }
0x48: {  	_ =	shalt  }
0x49: {  	_ =	shalt  }
0x4a: {  	_ =	shalt  }
0x4b: {  	_ =	shalt  }
0x4c: {  	_ =	shalt  }
0x4d: {  	_ =	shalt  }
0x4e: {  	_ =	shalt  }
0x4f: {  	_ =	shalt  }
0x50: {  	_ =	shalt  }
0x51: {  	_ =	shalt  }
0x52: {  	_ =	shalt  }
0x53: {  	_ =	shalt  }
0x54: {  	_ =	shalt  }
0x55: {  	_ =	shalt  }
0x56: {  	_ =	shalt  }
0x57: {  	_ =	shalt  }
0x58: {  	_ =	shalt  }
0x59: {  	_ =	shalt  }
0x5a: {  	_ =	shalt  }
0x5b: {  	_ =	shalt  }
0x5c: {  	_ =	shalt  }
0x5d: {  	_ =	shalt  }
0x5e: {  	_ =	shalt  }
0x5f: {  	_ =	shalt  }
0x60: {  	_ =	shalt  }
0x61: {  	_ =	shalt  }
0x62: {  	_ =	shalt  }
0x63: {  	_ =	shalt  }
0x64: {  	_ =	shalt  }
0x65: {  	_ =	shalt  }
0x66: {  	_ =	shalt  }
0x67: {  	_ =	shalt  }
0x68: {  	_ =	shalt  }
0x69: {  	_ =	shalt  }
0x6a: {  	_ =	shalt  }
0x6b: {  	_ =	shalt  }
0x6c: {  	_ =	shalt  }
0x6d: {  	_ =	shalt  }
0x6e: {  	_ =	shalt  }
0x6f: {  	_ =	shalt  }
0x70: {  	_ =	shalt  }
0x71: {  	_ =	shalt  }
0x72: {  	_ =	shalt  }
0x73: {  	_ =	shalt  }
0x74: {  	_ =	shalt  }
0x75: {  	_ =	shalt  }
0x76: {  	_ =	shalt  }
0x77: {  	_ =	shalt  }
0x78: {  	_ =	shalt  }
0x79: {  	_ =	shalt  }
0x7a: {  	_ =	shalt  }
0x7b: {  	_ =	shalt  }
0x7c: {  	_ =	shalt  }
0x7d: {  	_ =	shalt  }
0x7e: {  	_ =	shalt  }
0x7f: {  	_ =	shalt  }
0x80: {  	_ =	shalt  }
0x81: {  	_ =	shalt  }
0x82: {  	_ =	shalt  }
0x83: {  	_ =	shalt  }
0x84: {  	_ =	shalt  }
0x85: {  	_ =	shalt  }
0x86: {  	_ =	shalt  }
0x87: {  	_ =	shalt  }
.Lfunc_end0:
.L_simem_size_0:
called_computation.3_lowered:
.L_overlay_start_0:
0x88: {  	s2 =	sld [smem:$0x3FD9]  }
0x89: {  	s3 =	sld [smem:$0x3FFE];
	_ =	sdelay $0x1  }
0x8a: {  	s1 =	srdreg.scid  }
0x8b: {  	s0 =	sand.u32 $0x1, s1  }
0x8c: {  	s16 =	sshll.u32 s0, $0xA;
	s2 =	sadd.s32 s3, s2  }
0x8d: {  	s2 =	sadd.s32 s2, s16  }
0x8e: {  	[smem:$0x3FB5] =	sst s2  }
0x8f: {  	_ = 	snop  }
0x90: {  	(tm) =	ssettm $0x1  }
0x91: {  	s17 =	sld [smem:$0x3FFB];
	_ =	sdelay $0x3  }
0x92: {  	_ =	strace s17  }
0x93: {  	s2 =	sld [smem:$0x3FFC];
	_ =	sdelay $0x3  }
0x94: {  	_ =	strace s2  }
0x95: {  	s2 =	sld [smem:$0x3FFD];
	_ =	sdelay $0x3  }
0x96: {  	_ =	strace s2  }
0x97: {  	_ =	strace $0x8FFFFFFF  }
0x98: {  	s18 =	sld [smem:$0x3FDB];
	_ =	sdelay $0x1  }
0x99: {  	s19 =	simm.s32 $_scs_section_size  }
0x9a: {  	s4 =	simm.s32 $_size__tile_overlayer_lowered;
	s5 =	simm.s32 $_tile_overlayer_lowered  }
0x9b: {  	s22 =	simm.s32 $0x1BFF;
	s21 =	sshll.u32 s5, $0x1;
	s2 =	sadd.s32 s19, s18  }
0x9c: {  	s6 =	simm.s32 $0x0;
	s20 =	sshll.u32 s4, $0x1;
	s4 =	sadd.s32 s21, s2  }
0x9d: {  	[timem:s6], [sflag:s22] =	dma.local [hbm:s4], s20  }
0x9e: {  	_ =	swait.ge [sflag:s22], s20  }
0x9f: {  	s3 =	ssub.s32 $0x0, s20;
	[sflag:s22] =	ssyncset.done $0x0  }
0xa0: {  	[sflag:s22] =	ssyncadd.s32 s3;
	_ =	sdelay $0x1  }
0xa1: {  	s23 =	simm.s32 $0x1B8B  }
0xa2: {  	_ =	swait.ge [sflag:s23], $0x1  }
0xa3: {  	[sflag:s23] =	ssyncset.done $0x0  }
0xa4: {  	s25 =	simm.s32 $0x1B8E;
	s24 =	sld [smem:$0x3FFE];
	[sflag:s23] =	ssyncadd.s32 $0xFFFFFFFF  }
0xa5: {  	s26 =	simm.s32 $execute0_lowered;
	[smem:$0x3FD2] =	sst s25  }
0xa6: {  	s4 =	sshll.u32 s26, $0x1;
	_ =	strace $0x8000004F;
	[dreg:$0x1] =	wrdreg $0xFFFFFFFF  }
0xa7: {  	s28 =	simm.s32 $_size_execute0_lowered;
	s2 =	sadd.s32 s2, s4;
	[dreg:$0x0] =	wrdreg $0x0  }
0xa8: {  	s4 =	sshll.u32 s28, $0x1;
	[dreg:$0x2] =	wrdreg s2  }
0xa9: {  	[dreg:$0x3] =	wrdreg s4  }
0xaa: {  	[dreg:$0x4] =	wrdreg $0xC0  }
0xab: {  	_ =	task [dreg:s6], $0x5FFFF  }
0xac: {  	[dreg:$0x1] =	wrdreg $0xFFFFFFFF  }
0xad: {  	[dreg:$0x0] =	wrdreg $0x60  }
0xae: {  	[dreg:$0x2] =	wrdreg s24  }
0xaf: {  	[dreg:$0x3] =	wrdreg $0x9  }
0xb0: {  	_ =	task.clear_ibuf [dreg:s6], $0x4FFFF;
	_ =	strace $0x9000004F  }
0xb1: {  	s29 =	simm.s32 $0x9;
	_ =	strace $0x80000051  }
0xb2: {  	_ =	swait.ge [sflag:s29], $0x1  }
0xb3: {  	[sflag:s29] =	ssyncadd.s32 $0xFFFFFFFF  }
0xb4: {  	_ =	strace $0x90000051  }
0xb5: {  	_ =	sfence  }
0xb6: {  	s30 =	sld [smem:$0x0];
	_ =	sdelay $0x2  }
0xb7: {  	s31 =	sshll.u32 s1, $0xD;
	s1 =	sshrl.u32 s1, $0x2  }
0xb8: {  	s3 =	sand.u32 $0x4000, s31;
	s1 =	sadd.s32 s1, s30  }
0xb9: {  	s0 =	sor.u32 s3, s0;
	s1 =	sshll.u32 s1, $0x11  }
0xba: {  	s0 =	sor.u32 s1, s0  }
0xbb: {  	s0 =	sadd.s32 $0x8F2B, s0  }
0xbc: {  	[sflag:s0] =	ssyncadd.remote.s32 $0x1  }
0xbd: {  	_ =	sfence.sel $0xFFFF  }
0xbe: {  	[dreg:$0x0] =	wrdreg $0xFFFFFFFF;
	(pc) =	sbr.abs _section_cstart, $3  }
0xbf: {  	[dreg:$0x1] =	wrdreg $0xFFFFFFFF  }
0xc0: {  	_ =	task.clear_ibuf [dreg:s6], $0x2FFFF;
	_ =	strace $0x9FFFFFFF  }
0xc1: {  	(tm) =	ssettm $0x7FFFFFFF  }
tec
execute0_lowered:
.L_overlay_start_1:
0x0: {  	(tag) =	ssettag $0x1  }
0x1: {  	s0 =	srdreg.scid  }
0x2: {  	s5 =	rddreg [dreg:$0x0];
	s1 =	stileid.u32  }
0x3: {  	s2 =	simm.s32 $0x0;
	s11 =	simm.s32 $0x80;
	s12 =	simm.s32 $0x1  }
0x4: {  	s13 =	simm.s32 $0x5000;
	s14 =	simm.s32 $0x5150;
	s3 =	sand.u32 $0x1, s0  }
0x5: {  	s15 =	simm.s32 $0x6190;
	s0 =	rddreg [dreg:$0x1];
	s4 =	sshll.u32 s3, $0x4  }
0x6: {  	s16 =	simm.s32 $0x0;
	[smem:$0x7FF] =	sst s2;
	s4 =	sor.u32 s1, s4  }
0x7: {  	_ =	strace $0x80000050;
	s9 =	ssub.s32 $0x2, s3;
	s6 =	smul.u32 $0x1400, s4  }
0x8: {  	s3 =	sadd.s32 $0x2D600, s5;
	s10 =	sshrl.u32 s9, $0x1;
	s7 =	smul.u32 $0x28, s4  }
0x9: {  	s8 =	smul.u32 $0x208, s4;
	s4 =	sadd.s32 $0x2D200, s5;
	s9 =	ssub.s32 s9, s10  }
0xa: {  	s10 =	simm.s32 $0x40;
	s9 =	smax.u32 s9, $0x1;
	s6 =	sadd.s32 s6, s5  }
0xb: {  	vm0 =	vmxor vm0, vm0;
	v0 =	vlaneseq.u32;
	s7 =	sadd.s32 s7, s5;
	s8 =	sadd.s32 s8, s5;
	s5 =	sadd.s32 $0x5200, s6  }
0xc: {  	v1 =	vor.u32 $0x10, v0;
	v2 =	vor.u32 $0x20, v0;
	v3 =	vor.u32 $0x30, v0;
	s6 =	sadd.s32 $0xF5200, s7;
	s7 =	sadd.s32 $0x31C00, s8;
	s8 =	sadd.s32 $0x2DA00, s8  }
.LBB2_1:
0xd: {  	[tilespmem:s2], [sflag:$0x1] =	stream.strided.gather [hbm4b:s5+s10], $0x5000, s11, s10, $0x38;
	[tilespmem:$0x71D0] =	vst v63  }
0xe: {  	_ =	swait.ge [sflag:s12], $0x5000  }
0xf: {  	[sflag:s12] =	ssyncset.done $0x0  }
0x10: {  	[sflag:s12] =	ssyncadd.s32 $0xFFFFB000  }
0x11: {  	[tilespmem:s13], [sflag:$0x1] =	stream.linear.gather [hbm4b:s6+s2], $0x150, $0x38;
	[tilespmem:$0x71D0] =	vst v63  }
0x12: {  	_ =	swait.ge [sflag:s12], $0x150  }
0x13: {  	[sflag:s12] =	ssyncset.done $0x0  }
0x14: {  	[sflag:s12] =	ssyncadd.s32 $0xFFFFFEB0  }
0x15: {  	[tilespmem:s14], [sflag:$0x1] =	stream.linear.gather [hbm4b:s3+s2], $0x1040, $0x38;
	[tilespmem:$0x71D0] =	vst v63  }
0x16: {  	_ =	swait.ge [sflag:s12], $0x1040  }
0x17: {  	[sflag:s12] =	ssyncset.done $0x0  }
0x18: {  	[sflag:s12] =	ssyncadd.s32 $0xFFFFEFC0  }
0x19: {  	[tilespmem:s15], [sflag:$0x1] =	stream.linear.gather [hbm4b:s4+s2], $0x1040, $0x38;
	[tilespmem:$0x71D0] =	vst v63  }
0x1a: {  	_ =	swait.ge [sflag:s12], $0x1040  }
0x1b: {  	[sflag:s12] =	ssyncset.done $0x0  }
0x1c: {  	[sflag:s12] =	ssyncadd.s32 $0xFFFFEFC0  }
0x1d: {  	s17 =	simm.s32 $0x0;
	v4 =	vld [tilespmem:$0x5000]  }
0x1e: {  	v5 =	vld [tilespmem:s17+$0x5000];
	_ =	sdelay $0x3  }
0x1f: {  	(v2sf) =	vpush v4, $0x0  }
0x20: {  	(v2sf) =	vpush v5, $0x0;
	_ =	sdelay $0xd  }
0x21: {  	s17 =	simm.s32 $0x20;
	s19 =	spop (v2sf)  }
0x22: {  	v7 =	vld [tilespmem:s17+$0x10];
	s18 =	spop (v2sf)  }
0x23: {  	vm1 =	vmmov vm0;
	v6 =	vld [tilespmem:s17+$0xFFFFFFE0];
	p0 =	sne.s32 s18, s19  }
0x24: {  	v11 =	vld [tilespmem:s17+$0x0];
	s19 =	sshll.u32 s19, $0x6;
	vm1 =	vmneg @p0 vm1  }
0x25: {  	v5 =	vld [tilespmem:s17+$0xFFFFFFF0];
	v9 =	vor.u32 s19, v0;
	_ =	sdelay $0x1  }
0x26: {  	v8 =	vimm.f32 $-Inf;
	v13 =	vimm.f32 $0.0e+00;
	v12 =	vor.u32 s19, v1  }
0x27: {  	v15 =	vmax.f32 v8, v7;
	v16 =	vadd.f32 v7, v13  }
0x28: {  	v4 =	vmax.f32 v8, v6;
	v10 =	vadd.f32 v6, v13;
	v18 =	vor.u32 s19, v2  }
0x29: {  	v21 =	vmax.f32 v8, v11;
	v14 =	vadd.f32 v5, v13;
	[tilespmem:v9+s14+$0x0] =	vst.idx.msk vm1, v13  }
0x2a: {  	v19 =	vmax.f32 v8, v5;
	v4 =	vpsel p0, v6, v4;
	v20 =	vor.u32 s19, v3;
	[tilespmem:v9+s15+$0x0] =	vst.idx.msk vm1, v8  }
0x2b: {  	v10 =	vpsel p0, v6, v10;
	v9 =	vadd.f32 v11, v13;
	[tilespmem:v12+s14+$0x0] =	vst.idx.msk vm1, v13  }
0x2c: {  	v17 =	vpsel p0, v5, v14;
	v14 =	vpsel p0, v5, v19;
	[tilespmem:v12+s15+$0x0] =	vst.idx.msk vm1, v8  }
0x2d: {  	v5 =	vpsel p0, v11, v21;
	v19 =	vmov v4;
	v6 =	vpsel p0, v11, v9;
	[tilespmem:v18+s14+$0x0] =	vst.idx.msk vm1, v13  }
0x2e: {  	v9 =	vpsel p0, v7, v16;
	v7 =	vpsel p0, v7, v15;
	v15 =	vmov v17;
	[tilespmem:v18+s15+$0x0] =	vst.idx.msk vm1, v8  }
0x2f: {  	s20 =	simm.s32 $0x4;
	s22 =	simm.s32 $0x8;
	s19 =	sshll.u32 s18, $0x6;
	v16 =	vmovc v14;
	v12 =	vmovc v5;
	v11 =	vmov v9;
	v18 =	vmov v10;
	[tilespmem:v20+s14+$0x0] =	vst.idx.msk vm1, v13;
	v13 =	vmov v6  }
.LBB2_2:
0x30: {  	s23 =	sshra.s32 s20, $0x2  }
0x31: {  	[tilespmem:v20+s15+$0x0] =	vst.idx.msk vm1, v8;
	s17 =	sadd.s32 $0x40, s17;
	v8 =	vmov v7;
	s20 =	smov.u32 s22;
	s21 =	sadd.s32 $0x4, s22  }
0x32: {  	p0 =	sne.s32 s22, $0x4FC;
	v20 =	vld [tilespmem:s23+$0x5000];
	_ =	sdelay $0x4  }
0x33: {  	(v2sf) =	vpush v20, $0x0;
	_ =	sdelay $0x8  }
0x34: {  	v20 =	vld [tilespmem:s17+$0x10]  }
0x35: {  	v21 =	vld [tilespmem:s17+$0xFFFFFFF0]  }
0x36: {  	v22 =	vld [tilespmem:s17+$0xFFFFFFE0]  }
0x37: {  	v23 =	vld [tilespmem:s17+$0x0];
	_ =	sdelay $0x1  }
0x38: {  	v24 =	vor.u32 s19, v0;
	vm1 =	vmmov vm0  }
0x39: {  	v7 =	vmax.f32 v7, v20;
	v9 =	vadd.f32 v20, v9;
	v17 =	vadd.f32 v21, v17;
	s22 =	spop (v2sf)  }
0x3a: {  	v14 =	vmax.f32 v14, v21;
	s23 =	sshll.u32 s22, $0x6;
	p1 =	sne.s32 s22, s18;
	v4 =	vmax.f32 v4, v22;
	v10 =	vadd.f32 v22, v10;
	s18 =	smov.u32 s22  }
0x3b: {  	vm1 =	vmneg @p1 vm1;
	v4 =	vpsel p1, v22, v4;
	v6 =	vadd.f32 v23, v6  }
0x3c: {  	v5 =	vmax.f32 v5, v23;
	v7 =	vpsel p1, v20, v7;
	v10 =	vpsel p1, v22, v10  }
0x3d: {  	v17 =	vpsel p1, v21, v17;
	v9 =	vpsel p1, v20, v9;
	v6 =	vpsel p1, v23, v6  }
0x3e: {  	v14 =	vpsel p1, v21, v14;
	v22 =	vor.u32 s19, v1;
	v5 =	vpsel p1, v23, v5;
	_ =	sdelay $0x1  }
0x3f: {  	v21 =	vor.u32 s19, v2  }
0x40: {  	[tilespmem:v24+s14+$0x0] =	vst.idx.msk vm1, v18;
	v18 =	vmov v10  }
0x41: {  	v20 =	vor.u32 s19, v3;
	s19 =	smov.u32 s23;
	[tilespmem:v24+s15+$0x0] =	vst.idx.msk vm1, v19;
	v19 =	vmov v4  }
.Ltmp0:
0x42: {  	[tilespmem:v22+s14+$0x0] =	vst.idx.msk vm1, v15;
	v15 =	vmov v17;
	(pc) =	sbr.rel @p0 .LBB2_2-.Ltmp0, $4  }
0x43: {  	[tilespmem:v22+s15+$0x0] =	vst.idx.msk vm1, v16;
	v16 =	vmov v14  }
0x44: {  	[tilespmem:v21+s14+$0x0] =	vst.idx.msk vm1, v13;
	v13 =	vmov v6  }
0x45: {  	[tilespmem:v21+s15+$0x0] =	vst.idx.msk vm1, v12;
	v12 =	vmov v5  }
0x46: {  	s22 =	smov.u32 s21;
	[tilespmem:v20+s14+$0x0] =	vst.idx.msk vm1, v11;
	v11 =	vmov v9  }
0x47: {  	_ =	sdelay $0x4  }
0x48: {  	s20 =	sshra.s32 s20, $0x2;
	[tilespmem:v20+s15+$0x0] =	vst.idx.msk vm1, v8  }
0x49: {  	v8 =	vld [tilespmem:s20+$0x5000];
	_ =	sdelay $0x4  }
0x4a: {  	(v2sf) =	vpush v8, $0x0;
	_ =	sdelay $0xe  }
0x4b: {  	s31 =	spop (v2sf)  }
0x4c: {  	vm1 =	vmmov vm0;
	p0 =	sne.s32 s31, s18  }
0x4d: {  	vm1 =	vmneg @p0 vm1  }
0x4e: {  	v52 =	vor.u32 s19, v0  }
0x4f: {  	s17 =	sadd.s32 $0x40, s17  }
0x50: {  	v23 =	vor.u32 s19, v1;
	v21 =	vld [tilespmem:s17+$0x10]  }
0x51: {  	v22 =	vld [tilespmem:s17+$0xFFFFFFF0]  }
0x52: {  	v26 =	vor.u32 s19, v2;
	v24 =	vld [tilespmem:s17+$0xFFFFFFE0]  }
0x53: {  	v25 =	vld [tilespmem:s17+$0x0];
	v8 =	vshll.u32 v8, $0x6;
	[tilespmem:v52+s14+$0x0] =	vst.idx.msk vm1, v18  }
0x54: {  	v53 =	vor.u32 s19, v3;
	v8 =	vbroadcast v8, $0x0;
	[tilespmem:v52+s15+$0x0] =	vst.idx.msk vm1, v19  }
0x55: {  	[tilespmem:v23+s14+$0x0] =	vst.idx.msk vm1, v15  }
0x56: {  	v54 =	vor.u32 v0, v8;
	[tilespmem:v23+s15+$0x0] =	vst.idx.msk vm1, v16  }
0x57: {  	v55 =	vadd.f32 v22, v17;
	[tilespmem:v26+s14+$0x0] =	vst.idx.msk vm1, v13  }
0x58: {  	v10 =	vadd.f32 v24, v10;
	v56 =	vor.u32 v1, v8;
	[tilespmem:v26+s15+$0x0] =	vst.idx.msk vm1, v12  }
0x59: {  	v4 =	vmax.f32 v4, v24;
	v57 =	vmax.f32 v14, v22;
	[tilespmem:v53+s14+$0x0] =	vst.idx.msk vm1, v11  }
0x5a: {  	v58 =	vor.u32 v2, v8;
	v10 =	vpsel p0, v24, v10;
	[tilespmem:v53+s15+$0x0] =	vst.idx.msk vm1, v7  }
0x5b: {  	v6 =	vadd.f32 v25, v6;
	v4 =	vpsel p0, v24, v4;
	[tilespmem:v54+s14+$0x0] =	vst.idx.msk $0xffff, v10  }
0x5c: {  	v59 =	vpsel p0, v22, v55;
	[tilespmem:v54+s15+$0x0] =	vst.idx.msk $0xffff, v4;
	v4 =	vor.u32 v3, v8  }
0x5d: {  	v60 =	vadd.f32 v21, v9;
	v61 =	vpsel p0, v22, v57;
	[tilespmem:v56+s14+$0x0] =	vst.idx.msk $0xffff, v59  }
0x5e: {  	v5 =	vmax.f32 v5, v25;
	v6 =	vpsel p0, v25, v6;
	[tilespmem:v56+s15+$0x0] =	vst.idx.msk $0xffff, v61  }
0x5f: {  	v5 =	vpsel p0, v25, v5;
	[tilespmem:v58+s14+$0x0] =	vst.idx.msk $0xffff, v6  }
0x60: {  	v62 =	vmax.f32 v7, v21;
	v63 =	vpsel p0, v21, v60;
	[tilespmem:v58+s15+$0x0] =	vst.idx.msk $0xffff, v5  }
0x61: {  	v5 =	vpsel p0, v21, v62;
	[tilespmem:v4+s14+$0x0] =	vst.idx.msk $0xffff, v63  }
0x62: {  	[tilespmem:v4+s15+$0x0] =	vst.idx.msk $0xffff, v5  }
0x63: {  	[hbm4b:s7+s2] =	stream.linear.scatter [tilespmem:s14], [sflag:$0x1], $0x1040, $0x38;
	[tilespmem:$0x71D0] =	vst v63  }
0x64: {  	s16 =	sadd.s32 $0x1, s16;
	_ =	swait.ge [sflag:s12], $0x1040  }
0x65: {  	p0 =	sne.s32 s16, s9;
	[sflag:s12] =	ssyncset.done $0x0  }
.Ltmp1:
0x66: {  	[sflag:s12] =	ssyncadd.s32 $0xFFFFEFC0;
	(pc) =	sbr.rel @p0 .LBB2_1-.Ltmp1, $4  }
0x67: {  	[hbm4b:s8+s2] =	stream.linear.scatter [tilespmem:s15], [sflag:$0x1], $0x1040, $0x38;
	[tilespmem:$0x71D0] =	vst v63  }
0x68: {  	_ =	swait.ge [sflag:s12], $0x1040  }
0x69: {  	[sflag:s12] =	ssyncset.done $0x0  }
0x6a: {  	[sflag:s12] =	ssyncadd.s32 $0xFFFFEFC0  }
0x6b: {  	_ =	sfence.sel $0x180000  }
0x6c: {  	[bflag:$0x0] =	sbarrier.arrive $0xFFFF  }
0x6d: {  	p0 =	sne.s32 s1, $0x0;
	_ =	strace $0x90000050  }
0x6e: {  	s0 =	sadd.s32 @!p0 $0x100000, s0;
	[bflag:$0x2] =	sbarrier.arrive $0xFFFF  }
0x6f: {  	[sflag:s0] =	ssyncadd.tile.s32 @!p0 $0x1;
	_ =	shalt  }
.Lfunc_end2:
_tile_overlayer_lowered:
.L_overlay_start_2:
0x70: {  	(tag) =	ssettag $0x2  }
0x71: {  	s0 =	rddreg [dreg:$0x0];
	s2 =	stileid.u32  }
0x72: {  	s1 =	rddreg [dreg:$0x1];
	p0 =	sne.s32 s2, $0x0  }
0x73: {  	s3 =	rddreg [dreg:$0x2];
	[bflag:$0x3] =	sbarrier.arrive $0xFFFF;
	s2 =	simm.s32 @!p0 $0x1C01  }
0x74: {  	[timem:s3], [sflag:s2] =	dma.local @!p0 [hbm:s0], s1  }
0x75: {  	s0 =	simm.s32 @!p0 $0x1  }
0x76: {  	_ =	swait.ge @!p0 [sflag:s0], s1  }
0x77: {  	s1 =	ssub.s32 @!p0 $0x0, s1;
	[sflag:s0] =	ssyncset.done @!p0 $0x0  }
0x78: {  	[sflag:s0] =	ssyncadd.s32 @!p0 s1  }
0x79: {  	[bflag:$0x3] =	sbarrier.arrive $0xFFFF  }
0x7a: {  	_ =	shalt  }

</sc_bundles>
